<compile_context>
chip_gen: v7x
topology: tpu7x:2x2x1
jax: 0.10.2.dev20260603
libtpu: 0.0.44.dev20260713+nightly
codegen_flags: <defaults>
</compile_context>

<pallas_src>
import jax
import jax.numpy as jnp
from jax import lax
from jax.experimental import pallas as pl
from jax.experimental.pallas import tpu as pltpu
from jax.experimental.pallas import tpu_sc as plsc

_ROWS = 1_000_000
_DIM = 16
_NUM_CORES = 2
_NUM_WORKERS = 32
_LANES_PER_W = 31232
_CHUNK = 7808
_NCHUNK = _LANES_PER_W // _CHUNK
_TAIL_OFF = _LANES_PER_W * _NUM_WORKERS
_DUS_OFF = _TAIL_OFF + 4 * 128
_DUS = _ROWS - _DUS_OFF


def _copy_body(u_hbm, i_hbm, ou, oi, b0, b1, si0, si1, so0, so1):
    wid = lax.axis_index("s") * _NUM_CORES + lax.axis_index("c")
    base = wid * _LANES_PER_W
    bufs = (b0, b1)
    sin = (si0, si1)
    sout = (so0, so1)
    pending = [None, None]
    k = 0
    for tbl_in, tbl_out in ((u_hbm, ou), (i_hbm, oi)):
        for h in (0, 8):
            for c in range(_NCHUNK):
                slot = k % 2
                if pending[slot] is not None:
                    pending[slot].wait()
                sl = (pl.ds(h, 8), pl.ds(base + c * _CHUNK, _CHUNK))
                cin = pltpu.make_async_copy(tbl_in.at[sl], bufs[slot], sin[slot])
                cin.start()
                cin.wait()
                cout = pltpu.make_async_copy(bufs[slot], tbl_out.at[sl], sout[slot])
                cout.start()
                pending[slot] = cout
                k += 1
    for p in pending:
        if p is not None:
            p.wait()

    @pl.when(wid < 4)
    def _extra():
        off = _TAIL_OFF + wid * 128
        for tbl_in, tbl_out in ((u_hbm, ou), (i_hbm, oi)):
            for h in (0, 8):
                sl = (pl.ds(h, 8), pl.ds(off, 128))
                tb = b0.at[:, pl.ds(0, 128)]
                cin = pltpu.make_async_copy(tbl_in.at[sl], tb, si0)
                cin.start()
                cin.wait()
                cout = pltpu.make_async_copy(tb, tbl_out.at[sl], so0)
                cout.start()
                cout.wait()


def kernel(user_table, item_table):
    f = pl.kernel(
        _copy_body,
        out_type=(
            jax.ShapeDtypeStruct((_DIM, _ROWS), user_table.dtype),
            jax.ShapeDtypeStruct((_DIM, _ROWS), item_table.dtype),
        ),
        mesh=plsc.VectorSubcoreMesh(core_axis_name="c", subcore_axis_name="s"),
        scratch_types=[
            pltpu.VMEM((8, _CHUNK), jnp.float32),
            pltpu.VMEM((8, _CHUNK), jnp.float32),
            pltpu.SemaphoreType.DMA,
            pltpu.SemaphoreType.DMA,
            pltpu.SemaphoreType.DMA,
            pltpu.SemaphoreType.DMA,
        ],
    )
    ut, it = user_table.T, item_table.T
    out = f(ut, it)
    ou = lax.dynamic_update_slice(out[0], ut[:, _DUS_OFF:], (0, _DUS_OFF))
    oi = lax.dynamic_update_slice(out[1], it[:, _DUS_OFF:], (0, _DUS_OFF))
    return (ou.T, oi.T)

# --- scband reference (transcript-rebuilt; emitter-appended) ---
"""Pipeline reference for scband-mf-bpr-2894807958219 (READ-ONLY COPY).

The authoritative reference and input builder live on the scoring server;
editing this copy changes nothing except your own understanding.
"""

import jax, jax.numpy as jnp
import numpy as np

NUM_USERS = 1000000
NUM_ITEMS = 1000000
EMBED_DIM = 16

def _xavier_uniform(key, fan_in, fan_out):
    a = float(np.sqrt(6.0 / (fan_in + fan_out)))
    return jax.random.uniform(key, (fan_in, fan_out), dtype=jnp.float32, minval=-a, maxval=a)

def setup_inputs(seed: int = 0) -> dict:
    key = jax.random.key(seed)
    ku, ki = jax.random.split(key)
    user_table = _xavier_uniform(ku, NUM_USERS, EMBED_DIM)
    item_table = _xavier_uniform(ki, NUM_ITEMS, EMBED_DIM)
    return {"user_table": user_table, "item_table": item_table}

def reference(user_table, item_table):
    # MF_BPR.forward simply returns the full embedding weight matrices
    return (user_table, item_table)

if __name__ == "__main__":
    import jax
    _d = setup_inputs()
    print(jax.jit(kernel)(*tuple(_d.values())))

</pallas_src>

<mosaic_0001>
#map = affine_map<(d0, d1) -> (0, 0)>
module attributes {stable_mosaic.version = 14 : i64} {
  func.func @_copy_body(%arg0: i32, %arg1: i32, %arg2: memref<16x1000000xf32, #tpu.memory_space<hbm>>, %arg3: memref<16x1000000xf32, #tpu.memory_space<hbm>>, %arg4: memref<16x1000000xf32, #tpu.memory_space<hbm>>, %arg5: memref<16x1000000xf32, #tpu.memory_space<hbm>>, %arg6: memref<8x7808xf32, #tpu.memory_space<vmem>>, %arg7: memref<8x7808xf32, #tpu.memory_space<vmem>>, %arg8: memref<!tpu.dma_semaphore, #tpu.memory_space<semaphore_mem>>, %arg9: memref<!tpu.dma_semaphore, #tpu.memory_space<semaphore_mem>>, %arg10: memref<!tpu.dma_semaphore, #tpu.memory_space<semaphore_mem>>, %arg11: memref<!tpu.dma_semaphore, #tpu.memory_space<semaphore_mem>>) attributes {dimension_semantics = [#tpu.dimension_semantics<core_parallel>, #tpu.dimension_semantics<subcore_parallel>], iteration_bounds = array<i64: 2, 16>, scalar_prefetch = 0 : i64, scratch_operands = 6 : i64, tpu.core_type = #tpu.core_type<sc_vector_subcore>, window_params = [{transform_indices = #map}, {transform_indices = #map}, {transform_indices = #map}, {transform_indices = #map}]} {
    %mul3A = arith.constant 2 : i32
    %mul3A_0 = arith.muli %arg1, %mul3A : i32
    %add3A = arith.addi %mul3A_0, %arg0 : i32
    %mul3A_1 = arith.constant 31232 : i32
    %mul3A_2 = arith.muli %add3A, %mul3A_1 : i32
    %add3A_3 = arith.constant 0 : i32
    %add3A_4 = arith.addi %mul3A_2, %add3A_3 : i32
    %dma_start3A = arith.constant 0 : i32
    %dma_start3A_5 = tpu.memref_slice %arg2[%dma_start3A, %add3A_4] : memref<16x1000000xf32, #tpu.memory_space<hbm>> -> memref<8x7808xf32, #tpu.memory_space<hbm>>
    %dma_start3A_6 = arith.constant 0 : i32
    %dma_start3A_7 = tpu.memref_slice %arg2[%dma_start3A_6, %add3A_4] : memref<16x1000000xf32, #tpu.memory_space<hbm>> -> memref<8x7808xf32, #tpu.memory_space<hbm>>
    tpu.enqueue_dma source(%dma_start3A_7 : memref<8x7808xf32, #tpu.memory_space<hbm>>) target(%arg6 : memref<8x7808xf32, #tpu.memory_space<vmem>>) target_semaphore(%arg8 : memref<!tpu.dma_semaphore, #tpu.memory_space<semaphore_mem>>)
    %dma_wait3A = arith.constant 0 : i32
    %dma_wait3A_8 = tpu.memref_slice %arg2[%dma_wait3A, %add3A_4] : memref<16x1000000xf32, #tpu.memory_space<hbm>> -> memref<8x7808xf32, #tpu.memory_space<hbm>>
    %dma_wait3A_9 = arith.constant 0 : i32
    %dma_wait3A_10 = tpu.memref_slice %arg2[%dma_wait3A_9, %add3A_4] : memref<16x1000000xf32, #tpu.memory_space<hbm>> -> memref<8x7808xf32, #tpu.memory_space<hbm>>
    tpu.wait_dma2 semaphore(%arg8 : memref<!tpu.dma_semaphore, #tpu.memory_space<semaphore_mem>>) src(%dma_wait3A_10 : memref<8x7808xf32, #tpu.memory_space<hbm>>) dst(%arg6 : memref<8x7808xf32, #tpu.memory_space<vmem>>)
    %dma_start3A_11 = arith.constant 0 : i32
    %dma_start3A_12 = tpu.memref_slice %arg4[%dma_start3A_11, %add3A_4] : memref<16x1000000xf32, #tpu.memory_space<hbm>> -> memref<8x7808xf32, #tpu.memory_space<hbm>>
    %dma_start3A_13 = arith.constant 0 : i32
    %dma_start3A_14 = tpu.memref_slice %arg4[%dma_start3A_13, %add3A_4] : memref<16x1000000xf32, #tpu.memory_space<hbm>> -> memref<8x7808xf32, #tpu.memory_space<hbm>>
    tpu.enqueue_dma source(%arg6 : memref<8x7808xf32, #tpu.memory_space<vmem>>) target(%dma_start3A_14 : memref<8x7808xf32, #tpu.memory_space<hbm>>) target_semaphore(%arg10 : memref<!tpu.dma_semaphore, #tpu.memory_space<semaphore_mem>>)
    %add3A_15 = arith.constant 7808 : i32
    %add3A_16 = arith.addi %mul3A_2, %add3A_15 : i32
    %dma_start3A_17 = arith.constant 0 : i32
    %dma_start3A_18 = tpu.memref_slice %arg2[%dma_start3A_17, %add3A_16] : memref<16x1000000xf32, #tpu.memory_space<hbm>> -> memref<8x7808xf32, #tpu.memory_space<hbm>>
    %dma_start3A_19 = arith.constant 0 : i32
    %dma_start3A_20 = tpu.memref_slice %arg2[%dma_start3A_19, %add3A_16] : memref<16x1000000xf32, #tpu.memory_space<hbm>> -> memref<8x7808xf32, #tpu.memory_space<hbm>>
    tpu.enqueue_dma source(%dma_start3A_20 : memref<8x7808xf32, #tpu.memory_space<hbm>>) target(%arg7 : memref<8x7808xf32, #tpu.memory_space<vmem>>) target_semaphore(%arg9 : memref<!tpu.dma_semaphore, #tpu.memory_space<semaphore_mem>>)
    %dma_wait3A_21 = arith.constant 0 : i32
    %dma_wait3A_22 = tpu.memref_slice %arg2[%dma_wait3A_21, %add3A_16] : memref<16x1000000xf32, #tpu.memory_space<hbm>> -> memref<8x7808xf32, #tpu.memory_space<hbm>>
    %dma_wait3A_23 = arith.constant 0 : i32
    %dma_wait3A_24 = tpu.memref_slice %arg2[%dma_wait3A_23, %add3A_16] : memref<16x1000000xf32, #tpu.memory_space<hbm>> -> memref<8x7808xf32, #tpu.memory_space<hbm>>
    tpu.wait_dma2 semaphore(%arg9 : memref<!tpu.dma_semaphore, #tpu.memory_space<semaphore_mem>>) src(%dma_wait3A_24 : memref<8x7808xf32, #tpu.memory_space<hbm>>) dst(%arg7 : memref<8x7808xf32, #tpu.memory_space<vmem>>)
    %dma_start3A_25 = arith.constant 0 : i32
    %dma_start3A_26 = tpu.memref_slice %arg4[%dma_start3A_25, %add3A_16] : memref<16x1000000xf32, #tpu.memory_space<hbm>> -> memref<8x7808xf32, #tpu.memory_space<hbm>>
    %dma_start3A_27 = arith.constant 0 : i32
    %dma_start3A_28 = tpu.memref_slice %arg4[%dma_start3A_27, %add3A_16] : memref<16x1000000xf32, #tpu.memory_space<hbm>> -> memref<8x7808xf32, #tpu.memory_space<hbm>>
    tpu.enqueue_dma source(%arg7 : memref<8x7808xf32, #tpu.memory_space<vmem>>) target(%dma_start3A_28 : memref<8x7808xf32, #tpu.memory_space<hbm>>) target_semaphore(%arg11 : memref<!tpu.dma_semaphore, #tpu.memory_space<semaphore_mem>>)
    %dma_wait3A_29 = arith.constant 0 : i32
    %dma_wait3A_30 = tpu.memref_slice %arg4[%dma_wait3A_29, %add3A_4] : memref<16x1000000xf32, #tpu.memory_space<hbm>> -> memref<8x7808xf32, #tpu.memory_space<hbm>>
    %dma_wait3A_31 = arith.constant 0 : i32
    %dma_wait3A_32 = tpu.memref_slice %arg4[%dma_wait3A_31, %add3A_4] : memref<16x1000000xf32, #tpu.memory_space<hbm>> -> memref<8x7808xf32, #tpu.memory_space<hbm>>
    tpu.wait_dma2 semaphore(%arg10 : memref<!tpu.dma_semaphore, #tpu.memory_space<semaphore_mem>>) src(%arg6 : memref<8x7808xf32, #tpu.memory_space<vmem>>) dst(%dma_wait3A_32 : memref<8x7808xf32, #tpu.memory_space<hbm>>)
    %add3A_33 = arith.constant 15616 : i32
    %add3A_34 = arith.addi %mul3A_2, %add3A_33 : i32
    %dma_start3A_35 = arith.constant 0 : i32
    %dma_start3A_36 = tpu.memref_slice %arg2[%dma_start3A_35, %add3A_34] : memref<16x1000000xf32, #tpu.memory_space<hbm>> -> memref<8x7808xf32, #tpu.memory_space<hbm>>
    %dma_start3A_37 = arith.constant 0 : i32
    %dma_start3A_38 = tpu.memref_slice %arg2[%dma_start3A_37, %add3A_34] : memref<16x1000000xf32, #tpu.memory_space<hbm>> -> memref<8x7808xf32, #tpu.memory_space<hbm>>
    tpu.enqueue_dma source(%dma_start3A_38 : memref<8x7808xf32, #tpu.memory_space<hbm>>) target(%arg6 : memref<8x7808xf32, #tpu.memory_space<vmem>>) target_semaphore(%arg8 : memref<!tpu.dma_semaphore, #tpu.memory_space<semaphore_mem>>)
    %dma_wait3A_39 = arith.constant 0 : i32
    %dma_wait3A_40 = tpu.memref_slice %arg2[%dma_wait3A_39, %add3A_34] : memref<16x1000000xf32, #tpu.memory_space<hbm>> -> memref<8x7808xf32, #tpu.memory_space<hbm>>
    %dma_wait3A_41 = arith.constant 0 : i32
    %dma_wait3A_42 = tpu.memref_slice %arg2[%dma_wait3A_41, %add3A_34] : memref<16x1000000xf32, #tpu.memory_space<hbm>> -> memref<8x7808xf32, #tpu.memory_space<hbm>>
    tpu.wait_dma2 semaphore(%arg8 : memref<!tpu.dma_semaphore, #tpu.memory_space<semaphore_mem>>) src(%dma_wait3A_42 : memref<8x7808xf32, #tpu.memory_space<hbm>>) dst(%arg6 : memref<8x7808xf32, #tpu.memory_space<vmem>>)
    %dma_start3A_43 = arith.constant 0 : i32
    %dma_start3A_44 = tpu.memref_slice %arg4[%dma_start3A_43, %add3A_34] : memref<16x1000000xf32, #tpu.memory_space<hbm>> -> memref<8x7808xf32, #tpu.memory_space<hbm>>
    %dma_start3A_45 = arith.constant 0 : i32
    %dma_start3A_46 = tpu.memref_slice %arg4[%dma_start3A_45, %add3A_34] : memref<16x1000000xf32, #tpu.memory_space<hbm>> -> memref<8x7808xf32, #tpu.memory_space<hbm>>
    tpu.enqueue_dma source(%arg6 : memref<8x7808xf32, #tpu.memory_space<vmem>>) target(%dma_start3A_46 : memref<8x7808xf32, #tpu.memory_space<hbm>>) target_semaphore(%arg10 : memref<!tpu.dma_semaphore, #tpu.memory_space<semaphore_mem>>)
    %dma_wait3A_47 = arith.constant 0 : i32
    %dma_wait3A_48 = tpu.memref_slice %arg4[%dma_wait3A_47, %add3A_16] : memref<16x1000000xf32, #tpu.memory_space<hbm>> -> memref<8x7808xf32, #tpu.memory_space<hbm>>
    %dma_wait3A_49 = arith.constant 0 : i32
    %dma_wait3A_50 = tpu.memref_slice %arg4[%dma_wait3A_49, %add3A_16] : memref<16x1000000xf32, #tpu.memory_space<hbm>> -> memref<8x7808xf32, #tpu.memory_space<hbm>>
    tpu.wait_dma2 semaphore(%arg11 : memref<!tpu.dma_semaphore, #tpu.memory_space<semaphore_mem>>) src(%arg7 : memref<8x7808xf32, #tpu.memory_space<vmem>>) dst(%dma_wait3A_50 : memref<8x7808xf32, #tpu.memory_space<hbm>>)
    %add3A_51 = arith.constant 23424 : i32
    %add3A_52 = arith.addi %mul3A_2, %add3A_51 : i32
    %dma_start3A_53 = arith.constant 0 : i32
    %dma_start3A_54 = tpu.memref_slice %arg2[%dma_start3A_53, %add3A_52] : memref<16x1000000xf32, #tpu.memory_space<hbm>> -> memref<8x7808xf32, #tpu.memory_space<hbm>>
    %dma_start3A_55 = arith.constant 0 : i32
    %dma_start3A_56 = tpu.memref_slice %arg2[%dma_start3A_55, %add3A_52] : memref<16x1000000xf32, #tpu.memory_space<hbm>> -> memref<8x7808xf32, #tpu.memory_space<hbm>>
    tpu.enqueue_dma source(%dma_start3A_56 : memref<8x7808xf32, #tpu.memory_space<hbm>>) target(%arg7 : memref<8x7808xf32, #tpu.memory_space<vmem>>) target_semaphore(%arg9 : memref<!tpu.dma_semaphore, #tpu.memory_space<semaphore_mem>>)
    %dma_wait3A_57 = arith.constant 0 : i32
    %dma_wait3A_58 = tpu.memref_slice %arg2[%dma_wait3A_57, %add3A_52] : memref<16x1000000xf32, #tpu.memory_space<hbm>> -> memref<8x7808xf32, #tpu.memory_space<hbm>>
    %dma_wait3A_59 = arith.constant 0 : i32
    %dma_wait3A_60 = tpu.memref_slice %arg2[%dma_wait3A_59, %add3A_52] : memref<16x1000000xf32, #tpu.memory_space<hbm>> -> memref<8x7808xf32, #tpu.memory_space<hbm>>
    tpu.wait_dma2 semaphore(%arg9 : memref<!tpu.dma_semaphore, #tpu.memory_space<semaphore_mem>>) src(%dma_wait3A_60 : memref<8x7808xf32, #tpu.memory_space<hbm>>) dst(%arg7 : memref<8x7808xf32, #tpu.memory_space<vmem>>)
    %dma_start3A_61 = arith.constant 0 : i32
    %dma_start3A_62 = tpu.memref_slice %arg4[%dma_start3A_61, %add3A_52] : memref<16x1000000xf32, #tpu.memory_space<hbm>> -> memref<8x7808xf32, #tpu.memory_space<hbm>>
    %dma_start3A_63 = arith.constant 0 : i32
    %dma_start3A_64 = tpu.memref_slice %arg4[%dma_start3A_63, %add3A_52] : memref<16x1000000xf32, #tpu.memory_space<hbm>> -> memref<8x7808xf32, #tpu.memory_space<hbm>>
    tpu.enqueue_dma source(%arg7 : memref<8x7808xf32, #tpu.memory_space<vmem>>) target(%dma_start3A_64 : memref<8x7808xf32, #tpu.memory_space<hbm>>) target_semaphore(%arg11 : memref<!tpu.dma_semaphore, #tpu.memory_space<semaphore_mem>>)
    %dma_wait3A_65 = arith.constant 0 : i32
    %dma_wait3A_66 = tpu.memref_slice %arg4[%dma_wait3A_65, %add3A_34] : memref<16x1000000xf32, #tpu.memory_space<hbm>> -> memref<8x7808xf32, #tpu.memory_space<hbm>>
    %dma_wait3A_67 = arith.constant 0 : i32
    %dma_wait3A_68 = tpu.memref_slice %arg4[%dma_wait3A_67, %add3A_34] : memref<16x1000000xf32, #tpu.memory_space<hbm>> -> memref<8x7808xf32, #tpu.memory_space<hbm>>
    tpu.wait_dma2 semaphore(%arg10 : memref<!tpu.dma_semaphore, #tpu.memory_space<semaphore_mem>>) src(%arg6 : memref<8x7808xf32, #tpu.memory_space<vmem>>) dst(%dma_wait3A_68 : memref<8x7808xf32, #tpu.memory_space<hbm>>)
    %add3A_69 = arith.constant 0 : i32
    %add3A_70 = arith.addi %mul3A_2, %add3A_69 : i32
    %dma_start3A_71 = arith.constant 8 : i32
    %dma_start3A_72 = tpu.memref_slice %arg2[%dma_start3A_71, %add3A_70] : memref<16x1000000xf32, #tpu.memory_space<hbm>> -> memref<8x7808xf32, #tpu.memory_space<hbm>>
    %dma_start3A_73 = arith.constant 8 : i32
    %dma_start3A_74 = tpu.memref_slice %arg2[%dma_start3A_73, %add3A_70] : memref<16x1000000xf32, #tpu.memory_space<hbm>> -> memref<8x7808xf32, #tpu.memory_space<hbm>>
    tpu.enqueue_dma source(%dma_start3A_74 : memref<8x7808xf32, #tpu.memory_space<hbm>>) target(%arg6 : memref<8x7808xf32, #tpu.memory_space<vmem>>) target_semaphore(%arg8 : memref<!tpu.dma_semaphore, #tpu.memory_space<semaphore_mem>>)
    %dma_wait3A_75 = arith.constant 8 : i32
    %dma_wait3A_76 = tpu.memref_slice %arg2[%dma_wait3A_75, %add3A_70] : memref<16x1000000xf32, #tpu.memory_space<hbm>> -> memref<8x7808xf32, #tpu.memory_space<hbm>>
    %dma_wait3A_77 = arith.constant 8 : i32
    %dma_wait3A_78 = tpu.memref_slice %arg2[%dma_wait3A_77, %add3A_70] : memref<16x1000000xf32, #tpu.memory_space<hbm>> -> memref<8x7808xf32, #tpu.memory_space<hbm>>
    tpu.wait_dma2 semaphore(%arg8 : memref<!tpu.dma_semaphore, #tpu.memory_space<semaphore_mem>>) src(%dma_wait3A_78 : memref<8x7808xf32, #tpu.memory_space<hbm>>) dst(%arg6 : memref<8x7808xf32, #tpu.memory_space<vmem>>)
    %dma_start3A_79 = arith.constant 8 : i32
    %dma_start3A_80 = tpu.memref_slice %arg4[%dma_start3A_79, %add3A_70] : memref<16x1000000xf32, #tpu.memory_space<hbm>> -> memref<8x7808xf32, #tpu.memory_space<hbm>>
    %dma_start3A_81 = arith.constant 8 : i32
    %dma_start3A_82 = tpu.memref_slice %arg4[%dma_start3A_81, %add3A_70] : memref<16x1000000xf32, #tpu.memory_space<hbm>> -> memref<8x7808xf32, #tpu.memory_space<hbm>>
    tpu.enqueue_dma source(%arg6 : memref<8x7808xf32, #tpu.memory_space<vmem>>) target(%dma_start3A_82 : memref<8x7808xf32, #tpu.memory_space<hbm>>) target_semaphore(%arg10 : memref<!tpu.dma_semaphore, #tpu.memory_space<semaphore_mem>>)
    %dma_wait3A_83 = arith.constant 0 : i32
    %dma_wait3A_84 = tpu.memref_slice %arg4[%dma_wait3A_83, %add3A_52] : memref<16x1000000xf32, #tpu.memory_space<hbm>> -> memref<8x7808xf32, #tpu.memory_space<hbm>>
    %dma_wait3A_85 = arith.constant 0 : i32
    %dma_wait3A_86 = tpu.memref_slice %arg4[%dma_wait3A_85, %add3A_52] : memref<16x1000000xf32, #tpu.memory_space<hbm>> -> memref<8x7808xf32, #tpu.memory_space<hbm>>
    tpu.wait_dma2 semaphore(%arg11 : memref<!tpu.dma_semaphore, #tpu.memory_space<semaphore_mem>>) src(%arg7 : memref<8x7808xf32, #tpu.memory_space<vmem>>) dst(%dma_wait3A_86 : memref<8x7808xf32, #tpu.memory_space<hbm>>)
    %add3A_87 = arith.constant 7808 : i32
    %add3A_88 = arith.addi %mul3A_2, %add3A_87 : i32
    %dma_start3A_89 = arith.constant 8 : i32
    %dma_start3A_90 = tpu.memref_slice %arg2[%dma_start3A_89, %add3A_88] : memref<16x1000000xf32, #tpu.memory_space<hbm>> -> memref<8x7808xf32, #tpu.memory_space<hbm>>
    %dma_start3A_91 = arith.constant 8 : i32
    %dma_start3A_92 = tpu.memref_slice %arg2[%dma_start3A_91, %add3A_88] : memref<16x1000000xf32, #tpu.memory_space<hbm>> -> memref<8x7808xf32, #tpu.memory_space<hbm>>
    tpu.enqueue_dma source(%dma_start3A_92 : memref<8x7808xf32, #tpu.memory_space<hbm>>) target(%arg7 : memref<8x7808xf32, #tpu.memory_space<vmem>>) target_semaphore(%arg9 : memref<!tpu.dma_semaphore, #tpu.memory_space<semaphore_mem>>)
    %dma_wait3A_93 = arith.constant 8 : i32
    %dma_wait3A_94 = tpu.memref_slice %arg2[%dma_wait3A_93, %add3A_88] : memref<16x1000000xf32, #tpu.memory_space<hbm>> -> memref<8x7808xf32, #tpu.memory_space<hbm>>
    %dma_wait3A_95 = arith.constant 8 : i32
    %dma_wait3A_96 = tpu.memref_slice %arg2[%dma_wait3A_95, %add3A_88] : memref<16x1000000xf32, #tpu.memory_space<hbm>> -> memref<8x7808xf32, #tpu.memory_space<hbm>>
    tpu.wait_dma2 semaphore(%arg9 : memref<!tpu.dma_semaphore, #tpu.memory_space<semaphore_mem>>) src(%dma_wait3A_96 : memref<8x7808xf32, #tpu.memory_space<hbm>>) dst(%arg7 : memref<8x7808xf32, #tpu.memory_space<vmem>>)
    %dma_start3A_97 = arith.constant 8 : i32
    %dma_start3A_98 = tpu.memref_slice %arg4[%dma_start3A_97, %add3A_88] : memref<16x1000000xf32, #tpu.memory_space<hbm>> -> memref<8x7808xf32, #tpu.memory_space<hbm>>
    %dma_start3A_99 = arith.constant 8 : i32
    %dma_start3A_100 = tpu.memref_slice %arg4[%dma_start3A_99, %add3A_88] : memref<16x1000000xf32, #tpu.memory_space<hbm>> -> memref<8x7808xf32, #tpu.memory_space<hbm>>
    tpu.enqueue_dma source(%arg7 : memref<8x7808xf32, #tpu.memory_space<vmem>>) target(%dma_start3A_100 : memref<8x7808xf32, #tpu.memory_space<hbm>>) target_semaphore(%arg11 : memref<!tpu.dma_semaphore, #tpu.memory_space<semaphore_mem>>)
    %dma_wait3A_101 = arith.constant 8 : i32
    %dma_wait3A_102 = tpu.memref_slice %arg4[%dma_wait3A_101, %add3A_70] : memref<16x1000000xf32, #tpu.memory_space<hbm>> -> memref<8x7808xf32, #tpu.memory_space<hbm>>
    %dma_wait3A_103 = arith.constant 8 : i32
    %dma_wait3A_104 = tpu.memref_slice %arg4[%dma_wait3A_103, %add3A_70] : memref<16x1000000xf32, #tpu.memory_space<hbm>> -> memref<8x7808xf32, #tpu.memory_space<hbm>>
    tpu.wait_dma2 semaphore(%arg10 : memref<!tpu.dma_semaphore, #tpu.memory_space<semaphore_mem>>) src(%arg6 : memref<8x7808xf32, #tpu.memory_space<vmem>>) dst(%dma_wait3A_104 : memref<8x7808xf32, #tpu.memory_space<hbm>>)
    %add3A_105 = arith.constant 15616 : i32
    %add3A_106 = arith.addi %mul3A_2, %add3A_105 : i32
    %dma_start3A_107 = arith.constant 8 : i32
    %dma_start3A_108 = tpu.memref_slice %arg2[%dma_start3A_107, %add3A_106] : memref<16x1000000xf32, #tpu.memory_space<hbm>> -> memref<8x7808xf32, #tpu.memory_space<hbm>>
    %dma_start3A_109 = arith.constant 8 : i32
    %dma_start3A_110 = tpu.memref_slice %arg2[%dma_start3A_109, %add3A_106] : memref<16x1000000xf32, #tpu.memory_space<hbm>> -> memref<8x7808xf32, #tpu.memory_space<hbm>>
    tpu.enqueue_dma source(%dma_start3A_110 : memref<8x7808xf32, #tpu.memory_space<hbm>>) target(%arg6 : memref<8x7808xf32, #tpu.memory_space<vmem>>) target_semaphore(%arg8 : memref<!tpu.dma_semaphore, #tpu.memory_space<semaphore_mem>>)
    %dma_wait3A_111 = arith.constant 8 : i32
    %dma_wait3A_112 = tpu.memref_slice %arg2[%dma_wait3A_111, %add3A_106] : memref<16x1000000xf32, #tpu.memory_space<hbm>> -> memref<8x7808xf32, #tpu.memory_space<hbm>>
    %dma_wait3A_113 = arith.constant 8 : i32
    %dma_wait3A_114 = tpu.memref_slice %arg2[%dma_wait3A_113, %add3A_106] : memref<16x1000000xf32, #tpu.memory_space<hbm>> -> memref<8x7808xf32, #tpu.memory_space<hbm>>
    tpu.wait_dma2 semaphore(%arg8 : memref<!tpu.dma_semaphore, #tpu.memory_space<semaphore_mem>>) src(%dma_wait3A_114 : memref<8x7808xf32, #tpu.memory_space<hbm>>) dst(%arg6 : memref<8x7808xf32, #tpu.memory_space<vmem>>)
    %dma_start3A_115 = arith.constant 8 : i32
    %dma_start3A_116 = tpu.memref_slice %arg4[%dma_start3A_115, %add3A_106] : memref<16x1000000xf32, #tpu.memory_space<hbm>> -> memref<8x7808xf32, #tpu.memory_space<hbm>>
    %dma_start3A_117 = arith.constant 8 : i32
    %dma_start3A_118 = tpu.memref_slice %arg4[%dma_start3A_117, %add3A_106] : memref<16x1000000xf32, #tpu.memory_space<hbm>> -> memref<8x7808xf32, #tpu.memory_space<hbm>>
    tpu.enqueue_dma source(%arg6 : memref<8x7808xf32, #tpu.memory_space<vmem>>) target(%dma_start3A_118 : memref<8x7808xf32, #tpu.memory_space<hbm>>) target_semaphore(%arg10 : memref<!tpu.dma_semaphore, #tpu.memory_space<semaphore_mem>>)
    %dma_wait3A_119 = arith.constant 8 : i32
    %dma_wait3A_120 = tpu.memref_slice %arg4[%dma_wait3A_119, %add3A_88] : memref<16x1000000xf32, #tpu.memory_space<hbm>> -> memref<8x7808xf32, #tpu.memory_space<hbm>>
    %dma_wait3A_121 = arith.constant 8 : i32
    %dma_wait3A_122 = tpu.memref_slice %arg4[%dma_wait3A_121, %add3A_88] : memref<16x1000000xf32, #tpu.memory_space<hbm>> -> memref<8x7808xf32, #tpu.memory_space<hbm>>
    tpu.wait_dma2 semaphore(%arg11 : memref<!tpu.dma_semaphore, #tpu.memory_space<semaphore_mem>>) src(%arg7 : memref<8x7808xf32, #tpu.memory_space<vmem>>) dst(%dma_wait3A_122 : memref<8x7808xf32, #tpu.memory_space<hbm>>)
    %add3A_123 = arith.constant 23424 : i32
    %add3A_124 = arith.addi %mul3A_2, %add3A_123 : i32
    %dma_start3A_125 = arith.constant 8 : i32
    %dma_start3A_126 = tpu.memref_slice %arg2[%dma_start3A_125, %add3A_124] : memref<16x1000000xf32, #tpu.memory_space<hbm>> -> memref<8x7808xf32, #tpu.memory_space<hbm>>
    %dma_start3A_127 = arith.constant 8 : i32
    %dma_start3A_128 = tpu.memref_slice %arg2[%dma_start3A_127, %add3A_124] : memref<16x1000000xf32, #tpu.memory_space<hbm>> -> memref<8x7808xf32, #tpu.memory_space<hbm>>
    tpu.enqueue_dma source(%dma_start3A_128 : memref<8x7808xf32, #tpu.memory_space<hbm>>) target(%arg7 : memref<8x7808xf32, #tpu.memory_space<vmem>>) target_semaphore(%arg9 : memref<!tpu.dma_semaphore, #tpu.memory_space<semaphore_mem>>)
    %dma_wait3A_129 = arith.constant 8 : i32
    %dma_wait3A_130 = tpu.memref_slice %arg2[%dma_wait3A_129, %add3A_124] : memref<16x1000000xf32, #tpu.memory_space<hbm>> -> memref<8x7808xf32, #tpu.memory_space<hbm>>
    %dma_wait3A_131 = arith.constant 8 : i32
    %dma_wait3A_132 = tpu.memref_slice %arg2[%dma_wait3A_131, %add3A_124] : memref<16x1000000xf32, #tpu.memory_space<hbm>> -> memref<8x7808xf32, #tpu.memory_space<hbm>>
    tpu.wait_dma2 semaphore(%arg9 : memref<!tpu.dma_semaphore, #tpu.memory_space<semaphore_mem>>) src(%dma_wait3A_132 : memref<8x7808xf32, #tpu.memory_space<hbm>>) dst(%arg7 : memref<8x7808xf32, #tpu.memory_space<vmem>>)
    %dma_start3A_133 = arith.constant 8 : i32
    %dma_start3A_134 = tpu.memref_slice %arg4[%dma_start3A_133, %add3A_124] : memref<16x1000000xf32, #tpu.memory_space<hbm>> -> memref<8x7808xf32, #tpu.memory_space<hbm>>
    %dma_start3A_135 = arith.constant 8 : i32
    %dma_start3A_136 = tpu.memref_slice %arg4[%dma_start3A_135, %add3A_124] : memref<16x1000000xf32, #tpu.memory_space<hbm>> -> memref<8x7808xf32, #tpu.memory_space<hbm>>
    tpu.enqueue_dma source(%arg7 : memref<8x7808xf32, #tpu.memory_space<vmem>>) target(%dma_start3A_136 : memref<8x7808xf32, #tpu.memory_space<hbm>>) target_semaphore(%arg11 : memref<!tpu.dma_semaphore, #tpu.memory_space<semaphore_mem>>)
    %dma_wait3A_137 = arith.constant 8 : i32
    %dma_wait3A_138 = tpu.memref_slice %arg4[%dma_wait3A_137, %add3A_106] : memref<16x1000000xf32, #tpu.memory_space<hbm>> -> memref<8x7808xf32, #tpu.memory_space<hbm>>
    %dma_wait3A_139 = arith.constant 8 : i32
    %dma_wait3A_140 = tpu.memref_slice %arg4[%dma_wait3A_139, %add3A_106] : memref<16x1000000xf32, #tpu.memory_space<hbm>> -> memref<8x7808xf32, #tpu.memory_space<hbm>>
    tpu.wait_dma2 semaphore(%arg10 : memref<!tpu.dma_semaphore, #tpu.memory_space<semaphore_mem>>) src(%arg6 : memref<8x7808xf32, #tpu.memory_space<vmem>>) dst(%dma_wait3A_140 : memref<8x7808xf32, #tpu.memory_space<hbm>>)
    %add3A_141 = arith.constant 0 : i32
    %add3A_142 = arith.addi %mul3A_2, %add3A_141 : i32
    %dma_start3A_143 = arith.constant 0 : i32
    %dma_start3A_144 = tpu.memref_slice %arg3[%dma_start3A_143, %add3A_142] : memref<16x1000000xf32, #tpu.memory_space<hbm>> -> memref<8x7808xf32, #tpu.memory_space<hbm>>
    %dma_start3A_145 = arith.constant 0 : i32
    %dma_start3A_146 = tpu.memref_slice %arg3[%dma_start3A_145, %add3A_142] : memref<16x1000000xf32, #tpu.memory_space<hbm>> -> memref<8x7808xf32, #tpu.memory_space<hbm>>
    tpu.enqueue_dma source(%dma_start3A_146 : memref<8x7808xf32, #tpu.memory_space<hbm>>) target(%arg6 : memref<8x7808xf32, #tpu.memory_space<vmem>>) target_semaphore(%arg8 : memref<!tpu.dma_semaphore, #tpu.memory_space<semaphore_mem>>)
    %dma_wait3A_147 = arith.constant 0 : i32
    %dma_wait3A_148 = tpu.memref_slice %arg3[%dma_wait3A_147, %add3A_142] : memref<16x1000000xf32, #tpu.memory_space<hbm>> -> memref<8x7808xf32, #tpu.memory_space<hbm>>
    %dma_wait3A_149 = arith.constant 0 : i32
    %dma_wait3A_150 = tpu.memref_slice %arg3[%dma_wait3A_149, %add3A_142] : memref<16x1000000xf32, #tpu.memory_space<hbm>> -> memref<8x7808xf32, #tpu.memory_space<hbm>>
    tpu.wait_dma2 semaphore(%arg8 : memref<!tpu.dma_semaphore, #tpu.memory_space<semaphore_mem>>) src(%dma_wait3A_150 : memref<8x7808xf32, #tpu.memory_space<hbm>>) dst(%arg6 : memref<8x7808xf32, #tpu.memory_space<vmem>>)
    %dma_start3A_151 = arith.constant 0 : i32
    %dma_start3A_152 = tpu.memref_slice %arg5[%dma_start3A_151, %add3A_142] : memref<16x1000000xf32, #tpu.memory_space<hbm>> -> memref<8x7808xf32, #tpu.memory_space<hbm>>
    %dma_start3A_153 = arith.constant 0 : i32
    %dma_start3A_154 = tpu.memref_slice %arg5[%dma_start3A_153, %add3A_142] : memref<16x1000000xf32, #tpu.memory_space<hbm>> -> memref<8x7808xf32, #tpu.memory_space<hbm>>
    tpu.enqueue_dma source(%arg6 : memref<8x7808xf32, #tpu.memory_space<vmem>>) target(%dma_start3A_154 : memref<8x7808xf32, #tpu.memory_space<hbm>>) target_semaphore(%arg10 : memref<!tpu.dma_semaphore, #tpu.memory_space<semaphore_mem>>)
    %dma_wait3A_155 = arith.constant 8 : i32
    %dma_wait3A_156 = tpu.memref_slice %arg4[%dma_wait3A_155, %add3A_124] : memref<16x1000000xf32, #tpu.memory_space<hbm>> -> memref<8x7808xf32, #tpu.memory_space<hbm>>
    %dma_wait3A_157 = arith.constant 8 : i32
    %dma_wait3A_158 = tpu.memref_slice %arg4[%dma_wait3A_157, %add3A_124] : memref<16x1000000xf32, #tpu.memory_space<hbm>> -> memref<8x7808xf32, #tpu.memory_space<hbm>>
    tpu.wait_dma2 semaphore(%arg11 : memref<!tpu.dma_semaphore, #tpu.memory_space<semaphore_mem>>) src(%arg7 : memref<8x7808xf32, #tpu.memory_space<vmem>>) dst(%dma_wait3A_158 : memref<8x7808xf32, #tpu.memory_space<hbm>>)
    %add3A_159 = arith.constant 7808 : i32
    %add3A_160 = arith.addi %mul3A_2, %add3A_159 : i32
    %dma_start3A_161 = arith.constant 0 : i32
    %dma_start3A_162 = tpu.memref_slice %arg3[%dma_start3A_161, %add3A_160] : memref<16x1000000xf32, #tpu.memory_space<hbm>> -> memref<8x7808xf32, #tpu.memory_space<hbm>>
    %dma_start3A_163 = arith.constant 0 : i32
    %dma_start3A_164 = tpu.memref_slice %arg3[%dma_start3A_163, %add3A_160] : memref<16x1000000xf32, #tpu.memory_space<hbm>> -> memref<8x7808xf32, #tpu.memory_space<hbm>>
    tpu.enqueue_dma source(%dma_start3A_164 : memref<8x7808xf32, #tpu.memory_space<hbm>>) target(%arg7 : memref<8x7808xf32, #tpu.memory_space<vmem>>) target_semaphore(%arg9 : memref<!tpu.dma_semaphore, #tpu.memory_space<semaphore_mem>>)
    %dma_wait3A_165 = arith.constant 0 : i32
    %dma_wait3A_166 = tpu.memref_slice %arg3[%dma_wait3A_165, %add3A_160] : memref<16x1000000xf32, #tpu.memory_space<hbm>> -> memref<8x7808xf32, #tpu.memory_space<hbm>>
    %dma_wait3A_167 = arith.constant 0 : i32
    %dma_wait3A_168 = tpu.memref_slice %arg3[%dma_wait3A_167, %add3A_160] : memref<16x1000000xf32, #tpu.memory_space<hbm>> -> memref<8x7808xf32, #tpu.memory_space<hbm>>
    tpu.wait_dma2 semaphore(%arg9 : memref<!tpu.dma_semaphore, #tpu.memory_space<semaphore_mem>>) src(%dma_wait3A_168 : memref<8x7808xf32, #tpu.memory_space<hbm>>) dst(%arg7 : memref<8x7808xf32, #tpu.memory_space<vmem>>)
    %dma_start3A_169 = arith.constant 0 : i32
    %dma_start3A_170 = tpu.memref_slice %arg5[%dma_start3A_169, %add3A_160] : memref<16x1000000xf32, #tpu.memory_space<hbm>> -> memref<8x7808xf32, #tpu.memory_space<hbm>>
    %dma_start3A_171 = arith.constant 0 : i32
    %dma_start3A_172 = tpu.memref_slice %arg5[%dma_start3A_171, %add3A_160] : memref<16x1000000xf32, #tpu.memory_space<hbm>> -> memref<8x7808xf32, #tpu.memory_space<hbm>>
    tpu.enqueue_dma source(%arg7 : memref<8x7808xf32, #tpu.memory_space<vmem>>) target(%dma_start3A_172 : memref<8x7808xf32, #tpu.memory_space<hbm>>) target_semaphore(%arg11 : memref<!tpu.dma_semaphore, #tpu.memory_space<semaphore_mem>>)
    %dma_wait3A_173 = arith.constant 0 : i32
    %dma_wait3A_174 = tpu.memref_slice %arg5[%dma_wait3A_173, %add3A_142] : memref<16x1000000xf32, #tpu.memory_space<hbm>> -> memref<8x7808xf32, #tpu.memory_space<hbm>>
    %dma_wait3A_175 = arith.constant 0 : i32
    %dma_wait3A_176 = tpu.memref_slice %arg5[%dma_wait3A_175, %add3A_142] : memref<16x1000000xf32, #tpu.memory_space<hbm>> -> memref<8x7808xf32, #tpu.memory_space<hbm>>
    tpu.wait_dma2 semaphore(%arg10 : memref<!tpu.dma_semaphore, #tpu.memory_space<semaphore_mem>>) src(%arg6 : memref<8x7808xf32, #tpu.memory_space<vmem>>) dst(%dma_wait3A_176 : memref<8x7808xf32, #tpu.memory_space<hbm>>)
    %add3A_177 = arith.constant 15616 : i32
    %add3A_178 = arith.addi %mul3A_2, %add3A_177 : i32
    %dma_start3A_179 = arith.constant 0 : i32
    %dma_start3A_180 = tpu.memref_slice %arg3[%dma_start3A_179, %add3A_178] : memref<16x1000000xf32, #tpu.memory_space<hbm>> -> memref<8x7808xf32, #tpu.memory_space<hbm>>
    %dma_start3A_181 = arith.constant 0 : i32
    %dma_start3A_182 = tpu.memref_slice %arg3[%dma_start3A_181, %add3A_178] : memref<16x1000000xf32, #tpu.memory_space<hbm>> -> memref<8x7808xf32, #tpu.memory_space<hbm>>
    tpu.enqueue_dma source(%dma_start3A_182 : memref<8x7808xf32, #tpu.memory_space<hbm>>) target(%arg6 : memref<8x7808xf32, #tpu.memory_space<vmem>>) target_semaphore(%arg8 : memref<!tpu.dma_semaphore, #tpu.memory_space<semaphore_mem>>)
    %dma_wait3A_183 = arith.constant 0 : i32
    %dma_wait3A_184 = tpu.memref_slice %arg3[%dma_wait3A_183, %add3A_178] : memref<16x1000000xf32, #tpu.memory_space<hbm>> -> memref<8x7808xf32, #tpu.memory_space<hbm>>
    %dma_wait3A_185 = arith.constant 0 : i32
    %dma_wait3A_186 = tpu.memref_slice %arg3[%dma_wait3A_185, %add3A_178] : memref<16x1000000xf32, #tpu.memory_space<hbm>> -> memref<8x7808xf32, #tpu.memory_space<hbm>>
    tpu.wait_dma2 semaphore(%arg8 : memref<!tpu.dma_semaphore, #tpu.memory_space<semaphore_mem>>) src(%dma_wait3A_186 : memref<8x7808xf32, #tpu.memory_space<hbm>>) dst(%arg6 : memref<8x7808xf32, #tpu.memory_space<vmem>>)
    %dma_start3A_187 = arith.constant 0 : i32
    %dma_start3A_188 = tpu.memref_slice %arg5[%dma_start3A_187, %add3A_178] : memref<16x1000000xf32, #tpu.memory_space<hbm>> -> memref<8x7808xf32, #tpu.memory_space<hbm>>
    %dma_start3A_189 = arith.constant 0 : i32
    %dma_start3A_190 = tpu.memref_slice %arg5[%dma_start3A_189, %add3A_178] : memref<16x1000000xf32, #tpu.memory_space<hbm>> -> memref<8x7808xf32, #tpu.memory_space<hbm>>
    tpu.enqueue_dma source(%arg6 : memref<8x7808xf32, #tpu.memory_space<vmem>>) target(%dma_start3A_190 : memref<8x7808xf32, #tpu.memory_space<hbm>>) target_semaphore(%arg10 : memref<!tpu.dma_semaphore, #tpu.memory_space<semaphore_mem>>)
    %dma_wait3A_191 = arith.constant 0 : i32
    %dma_wait3A_192 = tpu.memref_slice %arg5[%dma_wait3A_191, %add3A_160] : memref<16x1000000xf32, #tpu.memory_space<hbm>> -> memref<8x7808xf32, #tpu.memory_space<hbm>>
    %dma_wait3A_193 = arith.constant 0 : i32
    %dma_wait3A_194 = tpu.memref_slice %arg5[%dma_wait3A_193, %add3A_160] : memref<16x1000000xf32, #tpu.memory_space<hbm>> -> memref<8x7808xf32, #tpu.memory_space<hbm>>
    tpu.wait_dma2 semaphore(%arg11 : memref<!tpu.dma_semaphore, #tpu.memory_space<semaphore_mem>>) src(%arg7 : memref<8x7808xf32, #tpu.memory_space<vmem>>) dst(%dma_wait3A_194 : memref<8x7808xf32, #tpu.memory_space<hbm>>)
    %add3A_195 = arith.constant 23424 : i32
    %add3A_196 = arith.addi %mul3A_2, %add3A_195 : i32
    %dma_start3A_197 = arith.constant 0 : i32
    %dma_start3A_198 = tpu.memref_slice %arg3[%dma_start3A_197, %add3A_196] : memref<16x1000000xf32, #tpu.memory_space<hbm>> -> memref<8x7808xf32, #tpu.memory_space<hbm>>
    %dma_start3A_199 = arith.constant 0 : i32
    %dma_start3A_200 = tpu.memref_slice %arg3[%dma_start3A_199, %add3A_196] : memref<16x1000000xf32, #tpu.memory_space<hbm>> -> memref<8x7808xf32, #tpu.memory_space<hbm>>
    tpu.enqueue_dma source(%dma_start3A_200 : memref<8x7808xf32, #tpu.memory_space<hbm>>) target(%arg7 : memref<8x7808xf32, #tpu.memory_space<vmem>>) target_semaphore(%arg9 : memref<!tpu.dma_semaphore, #tpu.memory_space<semaphore_mem>>)
    %dma_wait3A_201 = arith.constant 0 : i32
    %dma_wait3A_202 = tpu.memref_slice %arg3[%dma_wait3A_201, %add3A_196] : memref<16x1000000xf32, #tpu.memory_space<hbm>> -> memref<8x7808xf32, #tpu.memory_space<hbm>>
    %dma_wait3A_203 = arith.constant 0 : i32
    %dma_wait3A_204 = tpu.memref_slice %arg3[%dma_wait3A_203, %add3A_196] : memref<16x1000000xf32, #tpu.memory_space<hbm>> -> memref<8x7808xf32, #tpu.memory_space<hbm>>
    tpu.wait_dma2 semaphore(%arg9 : memref<!tpu.dma_semaphore, #tpu.memory_space<semaphore_mem>>) src(%dma_wait3A_204 : memref<8x7808xf32, #tpu.memory_space<hbm>>) dst(%arg7 : memref<8x7808xf32, #tpu.memory_space<vmem>>)
    %dma_start3A_205 = arith.constant 0 : i32
    %dma_start3A_206 = tpu.memref_slice %arg5[%dma_start3A_205, %add3A_196] : memref<16x1000000xf32, #tpu.memory_space<hbm>> -> memref<8x7808xf32, #tpu.memory_space<hbm>>
    %dma_start3A_207 = arith.constant 0 : i32
    %dma_start3A_208 = tpu.memref_slice %arg5[%dma_start3A_207, %add3A_196] : memref<16x1000000xf32, #tpu.memory_space<hbm>> -> memref<8x7808xf32, #tpu.memory_space<hbm>>
    tpu.enqueue_dma source(%arg7 : memref<8x7808xf32, #tpu.memory_space<vmem>>) target(%dma_start3A_208 : memref<8x7808xf32, #tpu.memory_space<hbm>>) target_semaphore(%arg11 : memref<!tpu.dma_semaphore, #tpu.memory_space<semaphore_mem>>)
    %dma_wait3A_209 = arith.constant 0 : i32
    %dma_wait3A_210 = tpu.memref_slice %arg5[%dma_wait3A_209, %add3A_178] : memref<16x1000000xf32, #tpu.memory_space<hbm>> -> memref<8x7808xf32, #tpu.memory_space<hbm>>
    %dma_wait3A_211 = arith.constant 0 : i32
    %dma_wait3A_212 = tpu.memref_slice %arg5[%dma_wait3A_211, %add3A_178] : memref<16x1000000xf32, #tpu.memory_space<hbm>> -> memref<8x7808xf32, #tpu.memory_space<hbm>>
    tpu.wait_dma2 semaphore(%arg10 : memref<!tpu.dma_semaphore, #tpu.memory_space<semaphore_mem>>) src(%arg6 : memref<8x7808xf32, #tpu.memory_space<vmem>>) dst(%dma_wait3A_212 : memref<8x7808xf32, #tpu.memory_space<hbm>>)
    %add3A_213 = arith.constant 0 : i32
    %add3A_214 = arith.addi %mul3A_2, %add3A_213 : i32
    %dma_start3A_215 = arith.constant 8 : i32
    %dma_start3A_216 = tpu.memref_slice %arg3[%dma_start3A_215, %add3A_214] : memref<16x1000000xf32, #tpu.memory_space<hbm>> -> memref<8x7808xf32, #tpu.memory_space<hbm>>
    %dma_start3A_217 = arith.constant 8 : i32
    %dma_start3A_218 = tpu.memref_slice %arg3[%dma_start3A_217, %add3A_214] : memref<16x1000000xf32, #tpu.memory_space<hbm>> -> memref<8x7808xf32, #tpu.memory_space<hbm>>
    tpu.enqueue_dma source(%dma_start3A_218 : memref<8x7808xf32, #tpu.memory_space<hbm>>) target(%arg6 : memref<8x7808xf32, #tpu.memory_space<vmem>>) target_semaphore(%arg8 : memref<!tpu.dma_semaphore, #tpu.memory_space<semaphore_mem>>)
    %dma_wait3A_219 = arith.constant 8 : i32
    %dma_wait3A_220 = tpu.memref_slice %arg3[%dma_wait3A_219, %add3A_214] : memref<16x1000000xf32, #tpu.memory_space<hbm>> -> memref<8x7808xf32, #tpu.memory_space<hbm>>
    %dma_wait3A_221 = arith.constant 8 : i32
    %dma_wait3A_222 = tpu.memref_slice %arg3[%dma_wait3A_221, %add3A_214] : memref<16x1000000xf32, #tpu.memory_space<hbm>> -> memref<8x7808xf32, #tpu.memory_space<hbm>>
    tpu.wait_dma2 semaphore(%arg8 : memref<!tpu.dma_semaphore, #tpu.memory_space<semaphore_mem>>) src(%dma_wait3A_222 : memref<8x7808xf32, #tpu.memory_space<hbm>>) dst(%arg6 : memref<8x7808xf32, #tpu.memory_space<vmem>>)
    %dma_start3A_223 = arith.constant 8 : i32
    %dma_start3A_224 = tpu.memref_slice %arg5[%dma_start3A_223, %add3A_214] : memref<16x1000000xf32, #tpu.memory_space<hbm>> -> memref<8x7808xf32, #tpu.memory_space<hbm>>
    %dma_start3A_225 = arith.constant 8 : i32
    %dma_start3A_226 = tpu.memref_slice %arg5[%dma_start3A_225, %add3A_214] : memref<16x1000000xf32, #tpu.memory_space<hbm>> -> memref<8x7808xf32, #tpu.memory_space<hbm>>
    tpu.enqueue_dma source(%arg6 : memref<8x7808xf32, #tpu.memory_space<vmem>>) target(%dma_start3A_226 : memref<8x7808xf32, #tpu.memory_space<hbm>>) target_semaphore(%arg10 : memref<!tpu.dma_semaphore, #tpu.memory_space<semaphore_mem>>)
    %dma_wait3A_227 = arith.constant 0 : i32
    %dma_wait3A_228 = tpu.memref_slice %arg5[%dma_wait3A_227, %add3A_196] : memref<16x1000000xf32, #tpu.memory_space<hbm>> -> memref<8x7808xf32, #tpu.memory_space<hbm>>
    %dma_wait3A_229 = arith.constant 0 : i32
    %dma_wait3A_230 = tpu.memref_slice %arg5[%dma_wait3A_229, %add3A_196] : memref<16x1000000xf32, #tpu.memory_space<hbm>> -> memref<8x7808xf32, #tpu.memory_space<hbm>>
    tpu.wait_dma2 semaphore(%arg11 : memref<!tpu.dma_semaphore, #tpu.memory_space<semaphore_mem>>) src(%arg7 : memref<8x7808xf32, #tpu.memory_space<vmem>>) dst(%dma_wait3A_230 : memref<8x7808xf32, #tpu.memory_space<hbm>>)
    %add3A_231 = arith.constant 7808 : i32
    %add3A_232 = arith.addi %mul3A_2, %add3A_231 : i32
    %dma_start3A_233 = arith.constant 8 : i32
    %dma_start3A_234 = tpu.memref_slice %arg3[%dma_start3A_233, %add3A_232] : memref<16x1000000xf32, #tpu.memory_space<hbm>> -> memref<8x7808xf32, #tpu.memory_space<hbm>>
    %dma_start3A_235 = arith.constant 8 : i32
    %dma_start3A_236 = tpu.memref_slice %arg3[%dma_start3A_235, %add3A_232] : memref<16x1000000xf32, #tpu.memory_space<hbm>> -> memref<8x7808xf32, #tpu.memory_space<hbm>>
    tpu.enqueue_dma source(%dma_start3A_236 : memref<8x7808xf32, #tpu.memory_space<hbm>>) target(%arg7 : memref<8x7808xf32, #tpu.memory_space<vmem>>) target_semaphore(%arg9 : memref<!tpu.dma_semaphore, #tpu.memory_space<semaphore_mem>>)
    %dma_wait3A_237 = arith.constant 8 : i32
    %dma_wait3A_238 = tpu.memref_slice %arg3[%dma_wait3A_237, %add3A_232] : memref<16x1000000xf32, #tpu.memory_space<hbm>> -> memref<8x7808xf32, #tpu.memory_space<hbm>>
    %dma_wait3A_239 = arith.constant 8 : i32
    %dma_wait3A_240 = tpu.memref_slice %arg3[%dma_wait3A_239, %add3A_232] : memref<16x1000000xf32, #tpu.memory_space<hbm>> -> memref<8x7808xf32, #tpu.memory_space<hbm>>
    tpu.wait_dma2 semaphore(%arg9 : memref<!tpu.dma_semaphore, #tpu.memory_space<semaphore_mem>>) src(%dma_wait3A_240 : memref<8x7808xf32, #tpu.memory_space<hbm>>) dst(%arg7 : memref<8x7808xf32, #tpu.memory_space<vmem>>)
    %dma_start3A_241 = arith.constant 8 : i32
    %dma_start3A_242 = tpu.memref_slice %arg5[%dma_start3A_241, %add3A_232] : memref<16x1000000xf32, #tpu.memory_space<hbm>> -> memref<8x7808xf32, #tpu.memory_space<hbm>>
    %dma_start3A_243 = arith.constant 8 : i32
    %dma_start3A_244 = tpu.memref_slice %arg5[%dma_start3A_243, %add3A_232] : memref<16x1000000xf32, #tpu.memory_space<hbm>> -> memref<8x7808xf32, #tpu.memory_space<hbm>>
    tpu.enqueue_dma source(%arg7 : memref<8x7808xf32, #tpu.memory_space<vmem>>) target(%dma_start3A_244 : memref<8x7808xf32, #tpu.memory_space<hbm>>) target_semaphore(%arg11 : memref<!tpu.dma_semaphore, #tpu.memory_space<semaphore_mem>>)
    %dma_wait3A_245 = arith.constant 8 : i32
    %dma_wait3A_246 = tpu.memref_slice %arg5[%dma_wait3A_245, %add3A_214] : memref<16x1000000xf32, #tpu.memory_space<hbm>> -> memref<8x7808xf32, #tpu.memory_space<hbm>>
    %dma_wait3A_247 = arith.constant 8 : i32
    %dma_wait3A_248 = tpu.memref_slice %arg5[%dma_wait3A_247, %add3A_214] : memref<16x1000000xf32, #tpu.memory_space<hbm>> -> memref<8x7808xf32, #tpu.memory_space<hbm>>
    tpu.wait_dma2 semaphore(%arg10 : memref<!tpu.dma_semaphore, #tpu.memory_space<semaphore_mem>>) src(%arg6 : memref<8x7808xf32, #tpu.memory_space<vmem>>) dst(%dma_wait3A_248 : memref<8x7808xf32, #tpu.memory_space<hbm>>)
    %add3A_249 = arith.constant 15616 : i32
    %add3A_250 = arith.addi %mul3A_2, %add3A_249 : i32
    %dma_start3A_251 = arith.constant 8 : i32
    %dma_start3A_252 = tpu.memref_slice %arg3[%dma_start3A_251, %add3A_250] : memref<16x1000000xf32, #tpu.memory_space<hbm>> -> memref<8x7808xf32, #tpu.memory_space<hbm>>
    %dma_start3A_253 = arith.constant 8 : i32
    %dma_start3A_254 = tpu.memref_slice %arg3[%dma_start3A_253, %add3A_250] : memref<16x1000000xf32, #tpu.memory_space<hbm>> -> memref<8x7808xf32, #tpu.memory_space<hbm>>
    tpu.enqueue_dma source(%dma_start3A_254 : memref<8x7808xf32, #tpu.memory_space<hbm>>) target(%arg6 : memref<8x7808xf32, #tpu.memory_space<vmem>>) target_semaphore(%arg8 : memref<!tpu.dma_semaphore, #tpu.memory_space<semaphore_mem>>)
    %dma_wait3A_255 = arith.constant 8 : i32
    %dma_wait3A_256 = tpu.memref_slice %arg3[%dma_wait3A_255, %add3A_250] : memref<16x1000000xf32, #tpu.memory_space<hbm>> -> memref<8x7808xf32, #tpu.memory_space<hbm>>
    %dma_wait3A_257 = arith.constant 8 : i32
    %dma_wait3A_258 = tpu.memref_slice %arg3[%dma_wait3A_257, %add3A_250] : memref<16x1000000xf32, #tpu.memory_space<hbm>> -> memref<8x7808xf32, #tpu.memory_space<hbm>>
    tpu.wait_dma2 semaphore(%arg8 : memref<!tpu.dma_semaphore, #tpu.memory_space<semaphore_mem>>) src(%dma_wait3A_258 : memref<8x7808xf32, #tpu.memory_space<hbm>>) dst(%arg6 : memref<8x7808xf32, #tpu.memory_space<vmem>>)
    %dma_start3A_259 = arith.constant 8 : i32
    %dma_start3A_260 = tpu.memref_slice %arg5[%dma_start3A_259, %add3A_250] : memref<16x1000000xf32, #tpu.memory_space<hbm>> -> memref<8x7808xf32, #tpu.memory_space<hbm>>
    %dma_start3A_261 = arith.constant 8 : i32
    %dma_start3A_262 = tpu.memref_slice %arg5[%dma_start3A_261, %add3A_250] : memref<16x1000000xf32, #tpu.memory_space<hbm>> -> memref<8x7808xf32, #tpu.memory_space<hbm>>
    tpu.enqueue_dma source(%arg6 : memref<8x7808xf32, #tpu.memory_space<vmem>>) target(%dma_start3A_262 : memref<8x7808xf32, #tpu.memory_space<hbm>>) target_semaphore(%arg10 : memref<!tpu.dma_semaphore, #tpu.memory_space<semaphore_mem>>)
    %dma_wait3A_263 = arith.constant 8 : i32
    %dma_wait3A_264 = tpu.memref_slice %arg5[%dma_wait3A_263, %add3A_232] : memref<16x1000000xf32, #tpu.memory_space<hbm>> -> memref<8x7808xf32, #tpu.memory_space<hbm>>
    %dma_wait3A_265 = arith.constant 8 : i32
    %dma_wait3A_266 = tpu.memref_slice %arg5[%dma_wait3A_265, %add3A_232] : memref<16x1000000xf32, #tpu.memory_space<hbm>> -> memref<8x7808xf32, #tpu.memory_space<hbm>>
    tpu.wait_dma2 semaphore(%arg11 : memref<!tpu.dma_semaphore, #tpu.memory_space<semaphore_mem>>) src(%arg7 : memref<8x7808xf32, #tpu.memory_space<vmem>>) dst(%dma_wait3A_266 : memref<8x7808xf32, #tpu.memory_space<hbm>>)
    %add3A_267 = arith.constant 23424 : i32
    %add3A_268 = arith.addi %mul3A_2, %add3A_267 : i32
    %dma_start3A_269 = arith.constant 8 : i32
    %dma_start3A_270 = tpu.memref_slice %arg3[%dma_start3A_269, %add3A_268] : memref<16x1000000xf32, #tpu.memory_space<hbm>> -> memref<8x7808xf32, #tpu.memory_space<hbm>>
    %dma_start3A_271 = arith.constant 8 : i32
    %dma_start3A_272 = tpu.memref_slice %arg3[%dma_start3A_271, %add3A_268] : memref<16x1000000xf32, #tpu.memory_space<hbm>> -> memref<8x7808xf32, #tpu.memory_space<hbm>>
    tpu.enqueue_dma source(%dma_start3A_272 : memref<8x7808xf32, #tpu.memory_space<hbm>>) target(%arg7 : memref<8x7808xf32, #tpu.memory_space<vmem>>) target_semaphore(%arg9 : memref<!tpu.dma_semaphore, #tpu.memory_space<semaphore_mem>>)
    %dma_wait3A_273 = arith.constant 8 : i32
    %dma_wait3A_274 = tpu.memref_slice %arg3[%dma_wait3A_273, %add3A_268] : memref<16x1000000xf32, #tpu.memory_space<hbm>> -> memref<8x7808xf32, #tpu.memory_space<hbm>>
    %dma_wait3A_275 = arith.constant 8 : i32
    %dma_wait3A_276 = tpu.memref_slice %arg3[%dma_wait3A_275, %add3A_268] : memref<16x1000000xf32, #tpu.memory_space<hbm>> -> memref<8x7808xf32, #tpu.memory_space<hbm>>
    tpu.wait_dma2 semaphore(%arg9 : memref<!tpu.dma_semaphore, #tpu.memory_space<semaphore_mem>>) src(%dma_wait3A_276 : memref<8x7808xf32, #tpu.memory_space<hbm>>) dst(%arg7 : memref<8x7808xf32, #tpu.memory_space<vmem>>)
    %dma_start3A_277 = arith.constant 8 : i32
    %dma_start3A_278 = tpu.memref_slice %arg5[%dma_start3A_277, %add3A_268] : memref<16x1000000xf32, #tpu.memory_space<hbm>> -> memref<8x7808xf32, #tpu.memory_space<hbm>>
    %dma_start3A_279 = arith.constant 8 : i32
    %dma_start3A_280 = tpu.memref_slice %arg5[%dma_start3A_279, %add3A_268] : memref<16x1000000xf32, #tpu.memory_space<hbm>> -> memref<8x7808xf32, #tpu.memory_space<hbm>>
    tpu.enqueue_dma source(%arg7 : memref<8x7808xf32, #tpu.memory_space<vmem>>) target(%dma_start3A_280 : memref<8x7808xf32, #tpu.memory_space<hbm>>) target_semaphore(%arg11 : memref<!tpu.dma_semaphore, #tpu.memory_space<semaphore_mem>>)
    %dma_wait3A_281 = arith.constant 8 : i32
    %dma_wait3A_282 = tpu.memref_slice %arg5[%dma_wait3A_281, %add3A_250] : memref<16x1000000xf32, #tpu.memory_space<hbm>> -> memref<8x7808xf32, #tpu.memory_space<hbm>>
    %dma_wait3A_283 = arith.constant 8 : i32
    %dma_wait3A_284 = tpu.memref_slice %arg5[%dma_wait3A_283, %add3A_250] : memref<16x1000000xf32, #tpu.memory_space<hbm>> -> memref<8x7808xf32, #tpu.memory_space<hbm>>
    tpu.wait_dma2 semaphore(%arg10 : memref<!tpu.dma_semaphore, #tpu.memory_space<semaphore_mem>>) src(%arg6 : memref<8x7808xf32, #tpu.memory_space<vmem>>) dst(%dma_wait3A_284 : memref<8x7808xf32, #tpu.memory_space<hbm>>)
    %dma_wait3A_285 = arith.constant 8 : i32
    %dma_wait3A_286 = tpu.memref_slice %arg5[%dma_wait3A_285, %add3A_268] : memref<16x1000000xf32, #tpu.memory_space<hbm>> -> memref<8x7808xf32, #tpu.memory_space<hbm>>
    %dma_wait3A_287 = arith.constant 8 : i32
    %dma_wait3A_288 = tpu.memref_slice %arg5[%dma_wait3A_287, %add3A_268] : memref<16x1000000xf32, #tpu.memory_space<hbm>> -> memref<8x7808xf32, #tpu.memory_space<hbm>>
    tpu.wait_dma2 semaphore(%arg11 : memref<!tpu.dma_semaphore, #tpu.memory_space<semaphore_mem>>) src(%arg7 : memref<8x7808xf32, #tpu.memory_space<vmem>>) dst(%dma_wait3A_288 : memref<8x7808xf32, #tpu.memory_space<hbm>>)
    %lt3A = arith.constant 4 : i32
    %lt3A_289 = arith.cmpi slt, %add3A, %lt3A : i32
    %convert_element_type3A = arith.extui %lt3A_289 : i1 to i32
    %cond3A = arith.constant 0 : i32
    %cond3A_290 = arith.cmpi ne, %convert_element_type3A, %cond3A : i32
    scf.if %cond3A_290 {
      %mul3A_291 = arith.constant 128 : i32
      %mul3A_292 = arith.muli %add3A, %mul3A_291 : i32
      %add3A_293 = arith.constant 999424 : i32
      %add3A_294 = arith.addi %add3A_293, %mul3A_292 : i32
      %dma_start3A_295 = arith.constant 0 : i32
      %dma_start3A_296 = arith.constant 0 : i32
      %dma_start3A_297 = tpu.memref_slice %arg6[%dma_start3A_295, %dma_start3A_296] : memref<8x7808xf32, #tpu.memory_space<vmem>> -> memref<8x128xf32, #tpu.memory_space<vmem>>
      %dma_start3A_298 = arith.constant 0 : i32
      %dma_start3A_299 = tpu.memref_slice %arg2[%dma_start3A_298, %add3A_294] : memref<16x1000000xf32, #tpu.memory_space<hbm>> -> memref<8x128xf32, #tpu.memory_space<hbm>>
      %dma_start3A_300 = arith.constant 0 : i32
      %dma_start3A_301 = arith.constant 0 : i32
      %dma_start3A_302 = tpu.memref_slice %arg6[%dma_start3A_300, %dma_start3A_301] : memref<8x7808xf32, #tpu.memory_space<vmem>> -> memref<8x128xf32, #tpu.memory_space<vmem>>
      %dma_start3A_303 = arith.constant 0 : i32
      %dma_start3A_304 = tpu.memref_slice %arg2[%dma_start3A_303, %add3A_294] : memref<16x1000000xf32, #tpu.memory_space<hbm>> -> memref<8x128xf32, #tpu.memory_space<hbm>>
      tpu.enqueue_dma source(%dma_start3A_304 : memref<8x128xf32, #tpu.memory_space<hbm>>) target(%dma_start3A_302 : memref<8x128xf32, #tpu.memory_space<vmem>>) target_semaphore(%arg8 : memref<!tpu.dma_semaphore, #tpu.memory_space<semaphore_mem>>)
      %dma_wait3A_305 = arith.constant 0 : i32
      %dma_wait3A_306 = arith.constant 0 : i32
      %dma_wait3A_307 = tpu.memref_slice %arg6[%dma_wait3A_305, %dma_wait3A_306] : memref<8x7808xf32, #tpu.memory_space<vmem>> -> memref<8x128xf32, #tpu.memory_space<vmem>>
      %dma_wait3A_308 = arith.constant 0 : i32
      %dma_wait3A_309 = tpu.memref_slice %arg2[%dma_wait3A_308, %add3A_294] : memref<16x1000000xf32, #tpu.memory_space<hbm>> -> memref<8x128xf32, #tpu.memory_space<hbm>>
      %dma_wait3A_310 = arith.constant 0 : i32
      %dma_wait3A_311 = arith.constant 0 : i32
      %dma_wait3A_312 = tpu.memref_slice %arg6[%dma_wait3A_310, %dma_wait3A_311] : memref<8x7808xf32, #tpu.memory_space<vmem>> -> memref<8x128xf32, #tpu.memory_space<vmem>>
      %dma_wait3A_313 = arith.constant 0 : i32
      %dma_wait3A_314 = tpu.memref_slice %arg2[%dma_wait3A_313, %add3A_294] : memref<16x1000000xf32, #tpu.memory_space<hbm>> -> memref<8x128xf32, #tpu.memory_space<hbm>>
      tpu.wait_dma2 semaphore(%arg8 : memref<!tpu.dma_semaphore, #tpu.memory_space<semaphore_mem>>) src(%dma_wait3A_314 : memref<8x128xf32, #tpu.memory_space<hbm>>) dst(%dma_wait3A_312 : memref<8x128xf32, #tpu.memory_space<vmem>>)
      %dma_start3A_315 = arith.constant 0 : i32
      %dma_start3A_316 = arith.constant 0 : i32
      %dma_start3A_317 = tpu.memref_slice %arg6[%dma_start3A_315, %dma_start3A_316] : memref<8x7808xf32, #tpu.memory_space<vmem>> -> memref<8x128xf32, #tpu.memory_space<vmem>>
      %dma_start3A_318 = arith.constant 0 : i32
      %dma_start3A_319 = tpu.memref_slice %arg4[%dma_start3A_318, %add3A_294] : memref<16x1000000xf32, #tpu.memory_space<hbm>> -> memref<8x128xf32, #tpu.memory_space<hbm>>
      %dma_start3A_320 = arith.constant 0 : i32
      %dma_start3A_321 = tpu.memref_slice %arg4[%dma_start3A_320, %add3A_294] : memref<16x1000000xf32, #tpu.memory_space<hbm>> -> memref<8x128xf32, #tpu.memory_space<hbm>>
      %dma_start3A_322 = arith.constant 0 : i32
      %dma_start3A_323 = arith.constant 0 : i32
      %dma_start3A_324 = tpu.memref_slice %arg6[%dma_start3A_322, %dma_start3A_323] : memref<8x7808xf32, #tpu.memory_space<vmem>> -> memref<8x128xf32, #tpu.memory_space<vmem>>
      tpu.enqueue_dma source(%dma_start3A_324 : memref<8x128xf32, #tpu.memory_space<vmem>>) target(%dma_start3A_321 : memref<8x128xf32, #tpu.memory_space<hbm>>) target_semaphore(%arg10 : memref<!tpu.dma_semaphore, #tpu.memory_space<semaphore_mem>>)
      %dma_wait3A_325 = arith.constant 0 : i32
      %dma_wait3A_326 = arith.constant 0 : i32
      %dma_wait3A_327 = tpu.memref_slice %arg6[%dma_wait3A_325, %dma_wait3A_326] : memref<8x7808xf32, #tpu.memory_space<vmem>> -> memref<8x128xf32, #tpu.memory_space<vmem>>
      %dma_wait3A_328 = arith.constant 0 : i32
      %dma_wait3A_329 = tpu.memref_slice %arg4[%dma_wait3A_328, %add3A_294] : memref<16x1000000xf32, #tpu.memory_space<hbm>> -> memref<8x128xf32, #tpu.memory_space<hbm>>
      %dma_wait3A_330 = arith.constant 0 : i32
      %dma_wait3A_331 = tpu.memref_slice %arg4[%dma_wait3A_330, %add3A_294] : memref<16x1000000xf32, #tpu.memory_space<hbm>> -> memref<8x128xf32, #tpu.memory_space<hbm>>
      %dma_wait3A_332 = arith.constant 0 : i32
      %dma_wait3A_333 = arith.constant 0 : i32
      %dma_wait3A_334 = tpu.memref_slice %arg6[%dma_wait3A_332, %dma_wait3A_333] : memref<8x7808xf32, #tpu.memory_space<vmem>> -> memref<8x128xf32, #tpu.memory_space<vmem>>
      tpu.wait_dma2 semaphore(%arg10 : memref<!tpu.dma_semaphore, #tpu.memory_space<semaphore_mem>>) src(%dma_wait3A_334 : memref<8x128xf32, #tpu.memory_space<vmem>>) dst(%dma_wait3A_331 : memref<8x128xf32, #tpu.memory_space<hbm>>)
      %dma_start3A_335 = arith.constant 0 : i32
      %dma_start3A_336 = arith.constant 0 : i32
      %dma_start3A_337 = tpu.memref_slice %arg6[%dma_start3A_335, %dma_start3A_336] : memref<8x7808xf32, #tpu.memory_space<vmem>> -> memref<8x128xf32, #tpu.memory_space<vmem>>
      %dma_start3A_338 = arith.constant 8 : i32
      %dma_start3A_339 = tpu.memref_slice %arg2[%dma_start3A_338, %add3A_294] : memref<16x1000000xf32, #tpu.memory_space<hbm>> -> memref<8x128xf32, #tpu.memory_space<hbm>>
      %dma_start3A_340 = arith.constant 0 : i32
      %dma_start3A_341 = arith.constant 0 : i32
      %dma_start3A_342 = tpu.memref_slice %arg6[%dma_start3A_340, %dma_start3A_341] : memref<8x7808xf32, #tpu.memory_space<vmem>> -> memref<8x128xf32, #tpu.memory_space<vmem>>
      %dma_start3A_343 = arith.constant 8 : i32
      %dma_start3A_344 = tpu.memref_slice %arg2[%dma_start3A_343, %add3A_294] : memref<16x1000000xf32, #tpu.memory_space<hbm>> -> memref<8x128xf32, #tpu.memory_space<hbm>>
      tpu.enqueue_dma source(%dma_start3A_344 : memref<8x128xf32, #tpu.memory_space<hbm>>) target(%dma_start3A_342 : memref<8x128xf32, #tpu.memory_space<vmem>>) target_semaphore(%arg8 : memref<!tpu.dma_semaphore, #tpu.memory_space<semaphore_mem>>)
      %dma_wait3A_345 = arith.constant 0 : i32
      %dma_wait3A_346 = arith.constant 0 : i32
      %dma_wait3A_347 = tpu.memref_slice %arg6[%dma_wait3A_345, %dma_wait3A_346] : memref<8x7808xf32, #tpu.memory_space<vmem>> -> memref<8x128xf32, #tpu.memory_space<vmem>>
      %dma_wait3A_348 = arith.constant 8 : i32
      %dma_wait3A_349 = tpu.memref_slice %arg2[%dma_wait3A_348, %add3A_294] : memref<16x1000000xf32, #tpu.memory_space<hbm>> -> memref<8x128xf32, #tpu.memory_space<hbm>>
      %dma_wait3A_350 = arith.constant 0 : i32
      %dma_wait3A_351 = arith.constant 0 : i32
      %dma_wait3A_352 = tpu.memref_slice %arg6[%dma_wait3A_350, %dma_wait3A_351] : memref<8x7808xf32, #tpu.memory_space<vmem>> -> memref<8x128xf32, #tpu.memory_space<vmem>>
      %dma_wait3A_353 = arith.constant 8 : i32
      %dma_wait3A_354 = tpu.memref_slice %arg2[%dma_wait3A_353, %add3A_294] : memref<16x1000000xf32, #tpu.memory_space<hbm>> -> memref<8x128xf32, #tpu.memory_space<hbm>>
      tpu.wait_dma2 semaphore(%arg8 : memref<!tpu.dma_semaphore, #tpu.memory_space<semaphore_mem>>) src(%dma_wait3A_354 : memref<8x128xf32, #tpu.memory_space<hbm>>) dst(%dma_wait3A_352 : memref<8x128xf32, #tpu.memory_space<vmem>>)
      %dma_start3A_355 = arith.constant 0 : i32
      %dma_start3A_356 = arith.constant 0 : i32
      %dma_start3A_357 = tpu.memref_slice %arg6[%dma_start3A_355, %dma_start3A_356] : memref<8x7808xf32, #tpu.memory_space<vmem>> -> memref<8x128xf32, #tpu.memory_space<vmem>>
      %dma_start3A_358 = arith.constant 8 : i32
      %dma_start3A_359 = tpu.memref_slice %arg4[%dma_start3A_358, %add3A_294] : memref<16x1000000xf32, #tpu.memory_space<hbm>> -> memref<8x128xf32, #tpu.memory_space<hbm>>
      %dma_start3A_360 = arith.constant 8 : i32
      %dma_start3A_361 = tpu.memref_slice %arg4[%dma_start3A_360, %add3A_294] : memref<16x1000000xf32, #tpu.memory_space<hbm>> -> memref<8x128xf32, #tpu.memory_space<hbm>>
      %dma_start3A_362 = arith.constant 0 : i32
      %dma_start3A_363 = arith.constant 0 : i32
      %dma_start3A_364 = tpu.memref_slice %arg6[%dma_start3A_362, %dma_start3A_363] : memref<8x7808xf32, #tpu.memory_space<vmem>> -> memref<8x128xf32, #tpu.memory_space<vmem>>
      tpu.enqueue_dma source(%dma_start3A_364 : memref<8x128xf32, #tpu.memory_space<vmem>>) target(%dma_start3A_361 : memref<8x128xf32, #tpu.memory_space<hbm>>) target_semaphore(%arg10 : memref<!tpu.dma_semaphore, #tpu.memory_space<semaphore_mem>>)
      %dma_wait3A_365 = arith.constant 0 : i32
      %dma_wait3A_366 = arith.constant 0 : i32
      %dma_wait3A_367 = tpu.memref_slice %arg6[%dma_wait3A_365, %dma_wait3A_366] : memref<8x7808xf32, #tpu.memory_space<vmem>> -> memref<8x128xf32, #tpu.memory_space<vmem>>
      %dma_wait3A_368 = arith.constant 8 : i32
      %dma_wait3A_369 = tpu.memref_slice %arg4[%dma_wait3A_368, %add3A_294] : memref<16x1000000xf32, #tpu.memory_space<hbm>> -> memref<8x128xf32, #tpu.memory_space<hbm>>
      %dma_wait3A_370 = arith.constant 8 : i32
      %dma_wait3A_371 = tpu.memref_slice %arg4[%dma_wait3A_370, %add3A_294] : memref<16x1000000xf32, #tpu.memory_space<hbm>> -> memref<8x128xf32, #tpu.memory_space<hbm>>
      %dma_wait3A_372 = arith.constant 0 : i32
      %dma_wait3A_373 = arith.constant 0 : i32
      %dma_wait3A_374 = tpu.memref_slice %arg6[%dma_wait3A_372, %dma_wait3A_373] : memref<8x7808xf32, #tpu.memory_space<vmem>> -> memref<8x128xf32, #tpu.memory_space<vmem>>
      tpu.wait_dma2 semaphore(%arg10 : memref<!tpu.dma_semaphore, #tpu.memory_space<semaphore_mem>>) src(%dma_wait3A_374 : memref<8x128xf32, #tpu.memory_space<vmem>>) dst(%dma_wait3A_371 : memref<8x128xf32, #tpu.memory_space<hbm>>)
      %dma_start3A_375 = arith.constant 0 : i32
      %dma_start3A_376 = arith.constant 0 : i32
      %dma_start3A_377 = tpu.memref_slice %arg6[%dma_start3A_375, %dma_start3A_376] : memref<8x7808xf32, #tpu.memory_space<vmem>> -> memref<8x128xf32, #tpu.memory_space<vmem>>
      %dma_start3A_378 = arith.constant 0 : i32
      %dma_start3A_379 = tpu.memref_slice %arg3[%dma_start3A_378, %add3A_294] : memref<16x1000000xf32, #tpu.memory_space<hbm>> -> memref<8x128xf32, #tpu.memory_space<hbm>>
      %dma_start3A_380 = arith.constant 0 : i32
      %dma_start3A_381 = arith.constant 0 : i32
      %dma_start3A_382 = tpu.memref_slice %arg6[%dma_start3A_380, %dma_start3A_381] : memref<8x7808xf32, #tpu.memory_space<vmem>> -> memref<8x128xf32, #tpu.memory_space<vmem>>
      %dma_start3A_383 = arith.constant 0 : i32
      %dma_start3A_384 = tpu.memref_slice %arg3[%dma_start3A_383, %add3A_294] : memref<16x1000000xf32, #tpu.memory_space<hbm>> -> memref<8x128xf32, #tpu.memory_space<hbm>>
      tpu.enqueue_dma source(%dma_start3A_384 : memref<8x128xf32, #tpu.memory_space<hbm>>) target(%dma_start3A_382 : memref<8x128xf32, #tpu.memory_space<vmem>>) target_semaphore(%arg8 : memref<!tpu.dma_semaphore, #tpu.memory_space<semaphore_mem>>)
      %dma_wait3A_385 = arith.constant 0 : i32
      %dma_wait3A_386 = arith.constant 0 : i32
      %dma_wait3A_387 = tpu.memref_slice %arg6[%dma_wait3A_385, %dma_wait3A_386] : memref<8x7808xf32, #tpu.memory_space<vmem>> -> memref<8x128xf32, #tpu.memory_space<vmem>>
      %dma_wait3A_388 = arith.constant 0 : i32
      %dma_wait3A_389 = tpu.memref_slice %arg3[%dma_wait3A_388, %add3A_294] : memref<16x1000000xf32, #tpu.memory_space<hbm>> -> memref<8x128xf32, #tpu.memory_space<hbm>>
      %dma_wait3A_390 = arith.constant 0 : i32
      %dma_wait3A_391 = arith.constant 0 : i32
      %dma_wait3A_392 = tpu.memref_slice %arg6[%dma_wait3A_390, %dma_wait3A_391] : memref<8x7808xf32, #tpu.memory_space<vmem>> -> memref<8x128xf32, #tpu.memory_space<vmem>>
      %dma_wait3A_393 = arith.constant 0 : i32
      %dma_wait3A_394 = tpu.memref_slice %arg3[%dma_wait3A_393, %add3A_294] : memref<16x1000000xf32, #tpu.memory_space<hbm>> -> memref<8x128xf32, #tpu.memory_space<hbm>>
      tpu.wait_dma2 semaphore(%arg8 : memref<!tpu.dma_semaphore, #tpu.memory_space<semaphore_mem>>) src(%dma_wait3A_394 : memref<8x128xf32, #tpu.memory_space<hbm>>) dst(%dma_wait3A_392 : memref<8x128xf32, #tpu.memory_space<vmem>>)
      %dma_start3A_395 = arith.constant 0 : i32
      %dma_start3A_396 = arith.constant 0 : i32
      %dma_start3A_397 = tpu.memref_slice %arg6[%dma_start3A_395, %dma_start3A_396] : memref<8x7808xf32, #tpu.memory_space<vmem>> -> memref<8x128xf32, #tpu.memory_space<vmem>>
      %dma_start3A_398 = arith.constant 0 : i32
      %dma_start3A_399 = tpu.memref_slice %arg5[%dma_start3A_398, %add3A_294] : memref<16x1000000xf32, #tpu.memory_space<hbm>> -> memref<8x128xf32, #tpu.memory_space<hbm>>
      %dma_start3A_400 = arith.constant 0 : i32
      %dma_start3A_401 = tpu.memref_slice %arg5[%dma_start3A_400, %add3A_294] : memref<16x1000000xf32, #tpu.memory_space<hbm>> -> memref<8x128xf32, #tpu.memory_space<hbm>>
      %dma_start3A_402 = arith.constant 0 : i32
      %dma_start3A_403 = arith.constant 0 : i32
      %dma_start3A_404 = tpu.memref_slice %arg6[%dma_start3A_402, %dma_start3A_403] : memref<8x7808xf32, #tpu.memory_space<vmem>> -> memref<8x128xf32, #tpu.memory_space<vmem>>
      tpu.enqueue_dma source(%dma_start3A_404 : memref<8x128xf32, #tpu.memory_space<vmem>>) target(%dma_start3A_401 : memref<8x128xf32, #tpu.memory_space<hbm>>) target_semaphore(%arg10 : memref<!tpu.dma_semaphore, #tpu.memory_space<semaphore_mem>>)
      %dma_wait3A_405 = arith.constant 0 : i32
      %dma_wait3A_406 = arith.constant 0 : i32
      %dma_wait3A_407 = tpu.memref_slice %arg6[%dma_wait3A_405, %dma_wait3A_406] : memref<8x7808xf32, #tpu.memory_space<vmem>> -> memref<8x128xf32, #tpu.memory_space<vmem>>
      %dma_wait3A_408 = arith.constant 0 : i32
      %dma_wait3A_409 = tpu.memref_slice %arg5[%dma_wait3A_408, %add3A_294] : memref<16x1000000xf32, #tpu.memory_space<hbm>> -> memref<8x128xf32, #tpu.memory_space<hbm>>
      %dma_wait3A_410 = arith.constant 0 : i32
      %dma_wait3A_411 = tpu.memref_slice %arg5[%dma_wait3A_410, %add3A_294] : memref<16x1000000xf32, #tpu.memory_space<hbm>> -> memref<8x128xf32, #tpu.memory_space<hbm>>
      %dma_wait3A_412 = arith.constant 0 : i32
      %dma_wait3A_413 = arith.constant 0 : i32
      %dma_wait3A_414 = tpu.memref_slice %arg6[%dma_wait3A_412, %dma_wait3A_413] : memref<8x7808xf32, #tpu.memory_space<vmem>> -> memref<8x128xf32, #tpu.memory_space<vmem>>
      tpu.wait_dma2 semaphore(%arg10 : memref<!tpu.dma_semaphore, #tpu.memory_space<semaphore_mem>>) src(%dma_wait3A_414 : memref<8x128xf32, #tpu.memory_space<vmem>>) dst(%dma_wait3A_411 : memref<8x128xf32, #tpu.memory_space<hbm>>)
      %dma_start3A_415 = arith.constant 0 : i32
      %dma_start3A_416 = arith.constant 0 : i32
      %dma_start3A_417 = tpu.memref_slice %arg6[%dma_start3A_415, %dma_start3A_416] : memref<8x7808xf32, #tpu.memory_space<vmem>> -> memref<8x128xf32, #tpu.memory_space<vmem>>
      %dma_start3A_418 = arith.constant 8 : i32
      %dma_start3A_419 = tpu.memref_slice %arg3[%dma_start3A_418, %add3A_294] : memref<16x1000000xf32, #tpu.memory_space<hbm>> -> memref<8x128xf32, #tpu.memory_space<hbm>>
      %dma_start3A_420 = arith.constant 0 : i32
      %dma_start3A_421 = arith.constant 0 : i32
      %dma_start3A_422 = tpu.memref_slice %arg6[%dma_start3A_420, %dma_start3A_421] : memref<8x7808xf32, #tpu.memory_space<vmem>> -> memref<8x128xf32, #tpu.memory_space<vmem>>
      %dma_start3A_423 = arith.constant 8 : i32
      %dma_start3A_424 = tpu.memref_slice %arg3[%dma_start3A_423, %add3A_294] : memref<16x1000000xf32, #tpu.memory_space<hbm>> -> memref<8x128xf32, #tpu.memory_space<hbm>>
      tpu.enqueue_dma source(%dma_start3A_424 : memref<8x128xf32, #tpu.memory_space<hbm>>) target(%dma_start3A_422 : memref<8x128xf32, #tpu.memory_space<vmem>>) target_semaphore(%arg8 : memref<!tpu.dma_semaphore, #tpu.memory_space<semaphore_mem>>)
      %dma_wait3A_425 = arith.constant 0 : i32
      %dma_wait3A_426 = arith.constant 0 : i32
      %dma_wait3A_427 = tpu.memref_slice %arg6[%dma_wait3A_425, %dma_wait3A_426] : memref<8x7808xf32, #tpu.memory_space<vmem>> -> memref<8x128xf32, #tpu.memory_space<vmem>>
      %dma_wait3A_428 = arith.constant 8 : i32
      %dma_wait3A_429 = tpu.memref_slice %arg3[%dma_wait3A_428, %add3A_294] : memref<16x1000000xf32, #tpu.memory_space<hbm>> -> memref<8x128xf32, #tpu.memory_space<hbm>>
      %dma_wait3A_430 = arith.constant 0 : i32
      %dma_wait3A_431 = arith.constant 0 : i32
      %dma_wait3A_432 = tpu.memref_slice %arg6[%dma_wait3A_430, %dma_wait3A_431] : memref<8x7808xf32, #tpu.memory_space<vmem>> -> memref<8x128xf32, #tpu.memory_space<vmem>>
      %dma_wait3A_433 = arith.constant 8 : i32
      %dma_wait3A_434 = tpu.memref_slice %arg3[%dma_wait3A_433, %add3A_294] : memref<16x1000000xf32, #tpu.memory_space<hbm>> -> memref<8x128xf32, #tpu.memory_space<hbm>>
      tpu.wait_dma2 semaphore(%arg8 : memref<!tpu.dma_semaphore, #tpu.memory_space<semaphore_mem>>) src(%dma_wait3A_434 : memref<8x128xf32, #tpu.memory_space<hbm>>) dst(%dma_wait3A_432 : memref<8x128xf32, #tpu.memory_space<vmem>>)
      %dma_start3A_435 = arith.constant 0 : i32
      %dma_start3A_436 = arith.constant 0 : i32
      %dma_start3A_437 = tpu.memref_slice %arg6[%dma_start3A_435, %dma_start3A_436] : memref<8x7808xf32, #tpu.memory_space<vmem>> -> memref<8x128xf32, #tpu.memory_space<vmem>>
      %dma_start3A_438 = arith.constant 8 : i32
      %dma_start3A_439 = tpu.memref_slice %arg5[%dma_start3A_438, %add3A_294] : memref<16x1000000xf32, #tpu.memory_space<hbm>> -> memref<8x128xf32, #tpu.memory_space<hbm>>
      %dma_start3A_440 = arith.constant 8 : i32
      %dma_start3A_441 = tpu.memref_slice %arg5[%dma_start3A_440, %add3A_294] : memref<16x1000000xf32, #tpu.memory_space<hbm>> -> memref<8x128xf32, #tpu.memory_space<hbm>>
      %dma_start3A_442 = arith.constant 0 : i32
      %dma_start3A_443 = arith.constant 0 : i32
      %dma_start3A_444 = tpu.memref_slice %arg6[%dma_start3A_442, %dma_start3A_443] : memref<8x7808xf32, #tpu.memory_space<vmem>> -> memref<8x128xf32, #tpu.memory_space<vmem>>
      tpu.enqueue_dma source(%dma_start3A_444 : memref<8x128xf32, #tpu.memory_space<vmem>>) target(%dma_start3A_441 : memref<8x128xf32, #tpu.memory_space<hbm>>) target_semaphore(%arg10 : memref<!tpu.dma_semaphore, #tpu.memory_space<semaphore_mem>>)
      %dma_wait3A_445 = arith.constant 0 : i32
      %dma_wait3A_446 = arith.constant 0 : i32
      %dma_wait3A_447 = tpu.memref_slice %arg6[%dma_wait3A_445, %dma_wait3A_446] : memref<8x7808xf32, #tpu.memory_space<vmem>> -> memref<8x128xf32, #tpu.memory_space<vmem>>
      %dma_wait3A_448 = arith.constant 8 : i32
      %dma_wait3A_449 = tpu.memref_slice %arg5[%dma_wait3A_448, %add3A_294] : memref<16x1000000xf32, #tpu.memory_space<hbm>> -> memref<8x128xf32, #tpu.memory_space<hbm>>
      %dma_wait3A_450 = arith.constant 8 : i32
      %dma_wait3A_451 = tpu.memref_slice %arg5[%dma_wait3A_450, %add3A_294] : memref<16x1000000xf32, #tpu.memory_space<hbm>> -> memref<8x128xf32, #tpu.memory_space<hbm>>
      %dma_wait3A_452 = arith.constant 0 : i32
      %dma_wait3A_453 = arith.constant 0 : i32
      %dma_wait3A_454 = tpu.memref_slice %arg6[%dma_wait3A_452, %dma_wait3A_453] : memref<8x7808xf32, #tpu.memory_space<vmem>> -> memref<8x128xf32, #tpu.memory_space<vmem>>
      tpu.wait_dma2 semaphore(%arg10 : memref<!tpu.dma_semaphore, #tpu.memory_space<semaphore_mem>>) src(%dma_wait3A_454 : memref<8x128xf32, #tpu.memory_space<vmem>>) dst(%dma_wait3A_451 : memref<8x128xf32, #tpu.memory_space<hbm>>)
    } else {
    }
    return
  }
}

</mosaic_0001>

<sc_bundles>
// kernel: kernel.3.cloned.1.call-start
scs
__scs_entry_jumppad:
0x0: {  	(pc) =	sbr.rel $0x88, $3  }
0x1: {  	(tag) =	ssettag $0x0;
	lr =	simm.s32 $0x1  }
0x2: {  	[smem:$0x3F9F] =	sst lr;
	_ =	strace $0xD0000000  }
0x3: {  	_ = 	snop  }
0x4: {  	_ = 	snop  }
0x5: {  	_ = 	snop  }
0x6: {  	_ = 	snop  }
0x7: {  	_ = 	snop  }
__scs_overlays_trampoline_lowered:
0x8: {  	[smem:$0x3FAE] =	sst s0  }
0x9: {  	[smem:$0x3FAF] =	sst s1  }
0xa: {  	[smem:$0x3FB0] =	sst s2  }
0xb: {  	[smem:$0x3FB1] =	sst s3  }
0xc: {  	[smem:$0x3FB2] =	sst s4  }
0xd: {  	[smem:$0x3FB3] =	sst s5  }
0xe: {  	[smem:$0x3FB4] =	sst s6  }
0xf: {  	[smem:$0x3FB5] =	sst s7  }
0x10: {  	[smem:$0x3FB6] =	sst s8  }
0x11: {  	[smem:$0x3FB7] =	sst s9;
	s0 =	simm.s32 @!p0 $0x0  }
0x12: {  	s1 =	sld [smem:$0x3F9D];
	s0 =	simm.s32 @p0 $0x1  }
0x13: {  	[smem:$0x3FB8] =	sst s0;
	s0 =	simm.s32 @!p1 $0x0  }
0x14: {  	s2 =	sld [smem:$0x3F9C];
	s0 =	simm.s32 @p1 $0x1  }
0x15: {  	[smem:$0x3FB9] =	sst s0;
	s0 =	simm.s32 @!p2 $0x0  }
0x16: {  	s3 =	sld [smem:$0x3FDB];
	s0 =	simm.s32 @p2 $0x1  }
0x17: {  	s4 =	simm.s32 $0x1BF5;
	[smem:$0x3FBB] =	sst s0  }
0x18: {  	s0 =	sld [smem:$0x3F9E];
	_ =	swait.ge [sflag:s4], $0x0  }
0x19: {  	s7 =	sld [smem:$0x3F9F]  }
0x1a: {  	s8 =	sadd.s32 $0xFFFFE003, lr  }
0x1b: {  	s9 =	sadd.s32 $0xFFFFFEF7, lr;
	s5 =	simm.s32 $0xFFFFFFFF;
	p2 =	slt.u32 s8, $0xFFFFF086  }
0x1c: {  	p1 =	slt.u32 s9, $0xF7A;
	s5 =	simm.s32 @!p2 $0x0  }
0x1d: {  	s5 =	simm.s32 @p1 $0x1;
	p0 =	seq.s32 s7, s2  }
0x1e: {  	s7 =	smul.u32 @!p0 $0xF7A, s2;
	p2 =	seq.s32 @!p0 s5, $0x0  }
0x1f: {  	s9 =	smul.u32 $0xF7A, s1;
	s8 =	simm.s32 @!p0 $0x1BF5;
	p2 =	por !p2, p0  }
0x20: {  	[sflag:s8] =	ssyncset.s32 @!p0 $0xFFFFF086;
	s6 =	sadd.s32 @!p0 s3, s7;
	s7 =	simm.s32 @!p0 $0x108  }
0x21: {  	s3 =	sadd.s32 s3, s9;
	s6 =	sadd.s32 @!p0 $0x88, s6;
	s7 =	simm.s32 @p2 $0x1082  }
0x22: {  	[simem:s7], [sflag:s8] =	dma.local @!p0 [hbm:s6], $0xF7A  }
0x23: {  	s9 =	sor.u32 $0xD0000000, s2;
	s6 =	simm.s32 $0x108;
	_ =	swait.ge @!p0 [sflag:s8], $0x0  }
0x24: {  	s3 =	sadd.s32 $0x88, s3;
	s6 =	simm.s32 @!p1 $0x1082;
	[sflag:s4] =	ssyncset.s32 $0xFFFFF086  }
0x25: {  	[simem:s6], [sflag:s4] =	dma.local [hbm:s3], $0xF7A  }
0x26: {  	[smem:$0x3F9F] =	sst s1;
	(tag) =	ssettag s2;
	_ =	strace s9  }
0x27: {  	s1 =	sld [smem:$0x3FAF]  }
0x28: {  	s2 =	sld [smem:$0x3FB0]  }
0x29: {  	s4 =	sld [smem:$0x3FB2]  }
0x2a: {  	p0 =	seq.s32 s5, $0x0;
	s5 =	sld [smem:$0x3FB3]  }
0x2b: {  	s6 =	sld [smem:$0x3FB4]  }
0x2c: {  	s7 =	sld [smem:$0x3FB5]  }
0x2d: {  	s3 =	simm.s32 $0x108;
	s8 =	sld [smem:$0x3FB6]  }
0x2e: {  	s3 =	simm.s32 @!p0 $0x1082;
	s9 =	sld [smem:$0x3FB7]  }
0x2f: {  	lr =	sadd.s32 s0, s3;
	s0 =	sld [smem:$0x3FAE]  }
0x30: {  	s3 =	sld [smem:$0x3FB1]  }
0x31: {  	[smem:$0x3FBA] =	sst s10  }
0x32: {  	s10 =	sld [smem:$0x3FB8];
	_ =	sdelay $0x3  }
0x33: {  	p0 =	seq.s32 s10, $0x1;
	s10 =	sld [smem:$0x3FBA];
	_ =	sdelay $0x3  }
0x34: {  	[smem:$0x3FBA] =	sst s10  }
0x35: {  	s10 =	sld [smem:$0x3FB9];
	_ =	sdelay $0x3  }
0x36: {  	p1 =	seq.s32 s10, $0x1;
	s10 =	sld [smem:$0x3FBA];
	_ =	sdelay $0x3  }
0x37: {  	[smem:$0x3FBA] =	sst s10  }
0x38: {  	s10 =	sld [smem:$0x3FBB]  }
0x39: {  	_ = 	snop;
	(pc) =	sbr.ind lr, $3  }
0x3a: {  	_ = 	snop  }
0x3b: {  	_ = 	snop  }
0x3c: {  	p2 =	seq.s32 s10, $0x1;
	s10 =	sld [smem:$0x3FBA]  }
0x3d: {  	_ =	shalt  }
0x3e: {  	_ =	shalt  }
0x3f: {  	_ =	shalt  }
0x40: {  	_ =	shalt  }
0x41: {  	_ =	shalt  }
0x42: {  	_ =	shalt  }
0x43: {  	_ =	shalt  }
0x44: {  	_ =	shalt  }
0x45: {  	_ =	shalt  }
0x46: {  	_ =	shalt  }
0x47: {  	_ =	shalt  }
0x48: {  	_ =	shalt  }
0x49: {  	_ =	shalt  }
0x4a: {  	_ =	shalt  }
0x4b: {  	_ =	shalt  }
0x4c: {  	_ =	shalt  }
0x4d: {  	_ =	shalt  }
0x4e: {  	_ =	shalt  }
0x4f: {  	_ =	shalt  }
0x50: {  	_ =	shalt  }
0x51: {  	_ =	shalt  }
0x52: {  	_ =	shalt  }
0x53: {  	_ =	shalt  }
0x54: {  	_ =	shalt  }
0x55: {  	_ =	shalt  }
0x56: {  	_ =	shalt  }
0x57: {  	_ =	shalt  }
0x58: {  	_ =	shalt  }
0x59: {  	_ =	shalt  }
0x5a: {  	_ =	shalt  }
0x5b: {  	_ =	shalt  }
0x5c: {  	_ =	shalt  }
0x5d: {  	_ =	shalt  }
0x5e: {  	_ =	shalt  }
0x5f: {  	_ =	shalt  }
0x60: {  	_ =	shalt  }
0x61: {  	_ =	shalt  }
0x62: {  	_ =	shalt  }
0x63: {  	_ =	shalt  }
0x64: {  	_ =	shalt  }
0x65: {  	_ =	shalt  }
0x66: {  	_ =	shalt  }
0x67: {  	_ =	shalt  }
0x68: {  	_ =	shalt  }
0x69: {  	_ =	shalt  }
0x6a: {  	_ =	shalt  }
0x6b: {  	_ =	shalt  }
0x6c: {  	_ =	shalt  }
0x6d: {  	_ =	shalt  }
0x6e: {  	_ =	shalt  }
0x6f: {  	_ =	shalt  }
0x70: {  	_ =	shalt  }
0x71: {  	_ =	shalt  }
0x72: {  	_ =	shalt  }
0x73: {  	_ =	shalt  }
0x74: {  	_ =	shalt  }
0x75: {  	_ =	shalt  }
0x76: {  	_ =	shalt  }
0x77: {  	_ =	shalt  }
0x78: {  	_ =	shalt  }
0x79: {  	_ =	shalt  }
0x7a: {  	_ =	shalt  }
0x7b: {  	_ =	shalt  }
0x7c: {  	_ =	shalt  }
0x7d: {  	_ =	shalt  }
0x7e: {  	_ =	shalt  }
0x7f: {  	_ =	shalt  }
0x80: {  	_ =	shalt  }
0x81: {  	_ =	shalt  }
0x82: {  	_ =	shalt  }
0x83: {  	_ =	shalt  }
0x84: {  	_ =	shalt  }
0x85: {  	_ =	shalt  }
0x86: {  	_ =	shalt  }
0x87: {  	_ =	shalt  }
.Lfunc_end0:
.L_simem_size_0:
called_computation_lowered:
.L_overlay_start_0:
0x88: {  	s2 =	sld [smem:$0x3FD9]  }
0x89: {  	s3 =	sld [smem:$0x3FFE];
	_ =	sdelay $0x1  }
0x8a: {  	s1 =	srdreg.scid  }
0x8b: {  	s0 =	sand.u32 $0x1, s1  }
0x8c: {  	s15 =	sshll.u32 s0, $0xA;
	s2 =	sadd.s32 s3, s2  }
0x8d: {  	s2 =	sadd.s32 s2, s15  }
0x8e: {  	[smem:$0x3FC6] =	sst s2  }
0x8f: {  	_ = 	snop  }
0x90: {  	s2 =	sld [smem:$0x3FD0];
	_ =	sdelay $0x1  }
0x91: {  	s16 =	sld [smem:$0x3FC9]  }
0x92: {  	s5 =	simm.s32 $0xA;
	s6 =	simm.s32 $0x10;
	s4 =	sld [smem:$0x3FC8]  }
0x93: {  	[smem:s6], [sflag:s5] =	dma.local [hbm:s2], $0x1  }
0x94: {  	_ =	swait.eq [sflag:s5], $0x1  }
0x95: {  	[sflag:s5] =	ssyncset.done $0x0  }
0x96: {  	s17 =	sld [smem:$0x10];
	[sflag:s5] =	ssyncadd.s32 $0xFFFFFFFF  }
0x97: {  	s18 =	sld [smem:$0x11];
	(tm) =	ssettm $0x1  }
0x98: {  	s19 =	sld [smem:$0x3FFB];
	_ =	sdelay $0x3  }
0x99: {  	_ =	strace s19  }
0x9a: {  	s6 =	sld [smem:$0x3FFC];
	_ =	sdelay $0x3  }
0x9b: {  	_ =	strace s6  }
0x9c: {  	s6 =	sld [smem:$0x3FFD];
	_ =	sdelay $0x3  }
0x9d: {  	_ =	strace s6  }
0x9e: {  	_ =	strace $0x8FFFFFFF  }
0x9f: {  	s20 =	sld [smem:$0x3FDB];
	_ =	sdelay $0x1  }
0xa0: {  	s7 =	simm.s32 $_scs_section_size  }
0xa1: {  	s8 =	simm.s32 $_size__tile_overlayer_lowered;
	s9 =	simm.s32 $_tile_overlayer_lowered  }
0xa2: {  	s23 =	simm.s32 $0x1BFF;
	s22 =	sshll.u32 s9, $0x1;
	s6 =	sadd.s32 s7, s20  }
0xa3: {  	s10 =	simm.s32 $0x0;
	s21 =	sshll.u32 s8, $0x1;
	s8 =	sadd.s32 s22, s6  }
0xa4: {  	[timem:s10], [sflag:s23] =	dma.local [hbm:s8], s21  }
0xa5: {  	_ =	swait.ge [sflag:s23], s21  }
0xa6: {  	s7 =	ssub.s32 $0x0, s21;
	[sflag:s23] =	ssyncset.done $0x0  }
0xa7: {  	[sflag:s23] =	ssyncadd.s32 s7;
	_ =	sdelay $0x1  }
0xa8: {  	s24 =	simm.s32 $0x1B8B  }
0xa9: {  	_ =	swait.ge [sflag:s24], $0x1  }
0xaa: {  	[sflag:s24] =	ssyncset.done $0x0  }
0xab: {  	s25 =	simm.s32 $0x1B8E;
	[sflag:s24] =	ssyncadd.s32 $0xFFFFFFFF  }
0xac: {  	s26 =	simm.s32 $execute0_lowered;
	[smem:$0x3FD2] =	sst s25  }
0xad: {  	s7 =	sshll.u32 s26, $0x1;
	_ =	strace $0x80000046;
	[dreg:$0x1] =	wrdreg $0xFFFFFFFF  }
0xae: {  	s28 =	simm.s32 $_size_execute0_lowered;
	s6 =	sadd.s32 s6, s7;
	[dreg:$0x0] =	wrdreg $0x0  }
0xaf: {  	s7 =	sshll.u32 s28, $0x1;
	[dreg:$0x2] =	wrdreg s6  }
0xb0: {  	[dreg:$0x3] =	wrdreg s7  }
0xb1: {  	[dreg:$0x4] =	wrdreg $0xC0  }
0xb2: {  	_ =	task [dreg:s10], $0x5FFFF  }
0xb3: {  	[dreg:$0x1] =	wrdreg $0xFFFFFFFF  }
0xb4: {  	[dreg:$0x0] =	wrdreg $0x60  }
0xb5: {  	[dreg:$0x2] =	wrdreg s16  }
0xb6: {  	[dreg:$0x3] =	wrdreg s4  }
0xb7: {  	[dreg:$0x4] =	wrdreg s17  }
0xb8: {  	[dreg:$0x5] =	wrdreg s18  }
0xb9: {  	[dreg:$0x6] =	wrdreg $0x9  }
0xba: {  	_ =	task.clear_ibuf [dreg:s10], $0x7FFFF;
	_ =	strace $0x90000046  }
0xbb: {  	s29 =	simm.s32 $0x9;
	_ =	strace $0x80000048  }
0xbc: {  	_ =	swait.ge [sflag:s29], $0x1  }
0xbd: {  	[sflag:s29] =	ssyncadd.s32 $0xFFFFFFFF  }
0xbe: {  	_ =	strace $0x90000048  }
0xbf: {  	_ =	sfence  }
0xc0: {  	s30 =	sld [smem:$0x0];
	_ =	sdelay $0x2  }
0xc1: {  	s31 =	sshll.u32 s1, $0xD;
	s1 =	sshrl.u32 s1, $0x2  }
0xc2: {  	s3 =	sand.u32 $0x4000, s31;
	s1 =	sadd.s32 s1, s30  }
0xc3: {  	s0 =	sor.u32 s3, s0;
	s1 =	sshll.u32 s1, $0x11  }
0xc4: {  	s0 =	sor.u32 s1, s0  }
0xc5: {  	s0 =	sadd.s32 $0x8F2B, s0  }
0xc6: {  	[sflag:s0] =	ssyncadd.remote.s32 $0x1  }
0xc7: {  	_ =	sfence.sel $0xFFFF  }
0xc8: {  	[dreg:$0x0] =	wrdreg $0xFFFFFFFF;
	(pc) =	sbr.abs _section_cstart, $3  }
0xc9: {  	[dreg:$0x1] =	wrdreg $0xFFFFFFFF  }
0xca: {  	_ =	task.clear_ibuf [dreg:s10], $0x2FFFF;
	_ =	strace $0x9FFFFFFF  }
0xcb: {  	(tm) =	ssettm $0x7FFFFFFF  }
tec
execute0_lowered:
.L_overlay_start_1:
0x0: {  	(tag) =	ssettag $0x1  }
0x1: {  	s3 =	rddreg [dreg:$0x0]  }
0x2: {  	s0 =	srdreg.scid;
	s30 =	stileid.u32  }
0x3: {  	s1 =	rddreg [dreg:$0x1];
	s0 =	sand.u32 $0x1, s0;
	s2 =	sshll.u32 s30, $0x1  }
0x4: {  	s4 =	rddreg [dreg:$0x2];
	s5 =	sor.u32 s0, s2  }
0x5: {  	s17 =	rddreg [dreg:$0x3];
	s6 =	smul.u32 $0x3D000, s5  }
0x6: {  	s31 =	rddreg [dreg:$0x4];
	p1 =	por $0x0, $0x0;
	p0 =	sgt.u32 s30, $0x1  }
0x7: {  	s2 =	simm.s32 $0x0;
	s0 =	ssub.s32 $0x2, s0;
	s6 =	sshrl.u32 s6, $0x3  }
0x8: {  	[smem:$0x7FF] =	sst s2;
	s5 =	sshll.u32 s5, $0x7;
	s7 =	sadd.s32 s3, s6  }
0x9: {  	_ =	strace $0x80000047;
	s25 =	sadd.s32 s4, s6;
	[dreg:$0x5] =	wrdreg s7  }
0xa: {  	s8 =	sadd.s32 $0x1E80, s6;
	s23 =	sadd.s32 s1, s6;
	[dreg:$0x6] =	wrdreg s25  }
0xb: {  	s9 =	sadd.s32 $0x3D00, s6;
	s26 =	sadd.s32 s3, s8;
	[dreg:$0x15] =	wrdreg s23  }
0xc: {  	s29 =	sadd.s32 s4, s8;
	s10 =	sadd.s32 s3, s9;
	[dreg:$0x7] =	wrdreg s26  }
0xd: {  	s11 =	sadd.s32 s4, s9;
	s24 =	sadd.s32 s1, s8;
	[dreg:$0x8] =	wrdreg s29  }
0xe: {  	s25 =	sshrl.u32 s0, $0x1;
	s28 =	sadd.s32 s1, s9;
	[dreg:$0x9] =	wrdreg s10  }
0xf: {  	s23 =	simm.s32 $0x1;
	s10 =	sadd.s32 $0x5B80, s6;
	[dreg:$0xa] =	wrdreg s11  }
0x10: {  	s11 =	sadd.s32 $0xF4280, s6;
	[dreg:$0x17] =	wrdreg s24;
	s26 =	sadd.s32 s17, s8  }
0x11: {  	s0 =	ssub.s32 s0, s25;
	s29 =	sadd.s32 $0x1E8280, s5;
	s12 =	sadd.s32 s3, s10  }
0x12: {  	s13 =	sadd.s32 s4, s10;
	s14 =	sadd.s32 s3, s11;
	[dreg:$0x18] =	wrdreg s26  }
0x13: {  	s15 =	sadd.s32 s4, s11;
	s26 =	sadd.s32 s17, s9;
	[dreg:$0xb] =	wrdreg s12  }
0x14: {  	s25 =	sadd.s32 s1, s10;
	s7 =	sadd.s32 s4, s29;
	[dreg:$0xc] =	wrdreg s13  }
0x15: {  	s0 =	smax.u32 s0, $0x1;
	[dreg:$0xd] =	wrdreg s14;
	s12 =	sadd.s32 $0xF6100, s6  }
0x16: {  	[dreg:$0xe] =	wrdreg s15;
	s13 =	sadd.s32 $0xF7F80, s6;
	s16 =	sadd.s32 s3, s12  }
0x17: {  	s18 =	sadd.s32 s4, s12;
	s19 =	sadd.s32 s3, s13;
	[dreg:$0xf] =	wrdreg s16  }
0x18: {  	s20 =	sadd.s32 s4, s13;
	s15 =	sadd.s32 s17, s12;
	[dreg:$0x10] =	wrdreg s18  }
0x19: {  	s14 =	sadd.s32 s1, s13;
	[dreg:$0x11] =	wrdreg s19;
	s18 =	sadd.s32 $0xF9E00, s6  }
0x1a: {  	s6 =	sadd.s32 s17, s6;
	s16 =	sadd.s32 s1, s12;
	s19 =	sor.u32 $0xF4000, s5  }
0x1b: {  	s22 =	sadd.s32 s4, s18;
	[dreg:$0x16] =	wrdreg s6;
	s12 =	sadd.s32 s1, s18  }
0x1c: {  	s9 =	sadd.s32 s4, s19;
	s6 =	sadd.s32 s1, s19;
	s4 =	sadd.s32 s1, s29  }
0x1d: {  	[dreg:$0x14] =	wrdreg s22;
	s22 =	sadd.s32 s1, s11;
	s1 =	sadd.s32 $0xFFFFFFFF, s0  }
0x1e: {  	s24 =	sadd.s32 s17, s10;
	s8 =	sadd.s32 s3, s29;
	p2 =	sne.s32 s1, $0x0  }
.Ltmp0:
0x1f: {  	s13 =	sadd.s32 s17, s13;
	[dreg:$0x12] =	wrdreg s20;
	(pc) =	sbr.rel @!p2 .LBB2_1-.Ltmp0, $4  }
0x20: {  	s20 =	sadd.s32 s17, s11;
	s21 =	sadd.s32 s3, s18;
	s10 =	sadd.s32 s3, s19  }
0x21: {  	s5 =	sadd.s32 s17, s19;
	s3 =	sadd.s32 s17, s29;
	s19 =	simm.s32 $0x3  }
0x22: {  	[dreg:$0x13] =	wrdreg s21;
	s11 =	sadd.s32 s17, s18;
	s17 =	simm.s32 $0xF400  }
0x23: {  	s21 =	simm.s32 $0x2;
	s18 =	simm.s32 $0x4;
	s0 =	rddreg [dreg:$0x5]  }
0x24: {  	[tilespmem:s2], [sflag:$0x1] =	stream.linear.gather [hbm4b:s0+s2], $0xF400, $0x38;
	[tilespmem:$0x1E800] =	vst v63  }
0x25: {  	_ =	swait.ge [sflag:s23], $0xF400  }
0x26: {  	[sflag:s23] =	ssyncset.done $0x0  }
0x27: {  	s30 =	rddreg [dreg:$0x6];
	[sflag:s23] =	ssyncadd.s32 $0xFFFF0C00  }
0x28: {  	[hbm4b:s30+s2] =	stream.linear.scatter [tilespmem:s2], [sflag:$0x3], $0xF400, $0x38;
	[tilespmem:$0x1E800] =	vst v63  }
0x29: {  	s29 =	rddreg [dreg:$0x7]  }
0x2a: {  	[tilespmem:s17], [sflag:$0x2] =	stream.linear.gather [hbm4b:s29+s2], $0xF400, $0x38;
	[tilespmem:$0x1E800] =	vst v63  }
0x2b: {  	_ =	swait.ge [sflag:s21], $0xF400  }
0x2c: {  	[sflag:s21] =	ssyncset.done $0x0  }
0x2d: {  	s30 =	rddreg [dreg:$0x8];
	[sflag:s21] =	ssyncadd.s32 $0xFFFF0C00  }
0x2e: {  	[hbm4b:s30+s2] =	stream.linear.scatter [tilespmem:s17], [sflag:$0x4], $0xF400, $0x38;
	[tilespmem:$0x1E800] =	vst v63  }
0x2f: {  	_ =	swait.ge [sflag:s19], $0xF400  }
0x30: {  	[sflag:s19] =	ssyncset.done $0x0  }
0x31: {  	s30 =	rddreg [dreg:$0x9];
	[sflag:s19] =	ssyncadd.s32 $0xFFFF0C00  }
0x32: {  	[tilespmem:s2], [sflag:$0x1] =	stream.linear.gather [hbm4b:s30+s2], $0xF400, $0x38;
	[tilespmem:$0x1E800] =	vst v63  }
0x33: {  	_ =	swait.ge [sflag:s23], $0xF400  }
0x34: {  	[sflag:s23] =	ssyncset.done $0x0  }
0x35: {  	s30 =	rddreg [dreg:$0xa];
	[sflag:s23] =	ssyncadd.s32 $0xFFFF0C00  }
0x36: {  	[hbm4b:s30+s2] =	stream.linear.scatter [tilespmem:s2], [sflag:$0x3], $0xF400, $0x38;
	[tilespmem:$0x1E800] =	vst v63  }
0x37: {  	_ =	swait.ge [sflag:s18], $0xF400  }
0x38: {  	[sflag:s18] =	ssyncset.done $0x0  }
0x39: {  	s30 =	rddreg [dreg:$0xb];
	[sflag:s18] =	ssyncadd.s32 $0xFFFF0C00  }
0x3a: {  	[tilespmem:s17], [sflag:$0x2] =	stream.linear.gather [hbm4b:s30+s2], $0xF400, $0x38;
	[tilespmem:$0x1E800] =	vst v63  }
0x3b: {  	_ =	swait.ge [sflag:s21], $0xF400  }
0x3c: {  	[sflag:s21] =	ssyncset.done $0x0  }
0x3d: {  	s30 =	rddreg [dreg:$0xc];
	[sflag:s21] =	ssyncadd.s32 $0xFFFF0C00  }
0x3e: {  	[hbm4b:s30+s2] =	stream.linear.scatter [tilespmem:s17], [sflag:$0x4], $0xF400, $0x38;
	[tilespmem:$0x1E800] =	vst v63  }
0x3f: {  	_ =	swait.ge [sflag:s19], $0xF400  }
0x40: {  	[sflag:s19] =	ssyncset.done $0x0  }
0x41: {  	s30 =	rddreg [dreg:$0xd];
	[sflag:s19] =	ssyncadd.s32 $0xFFFF0C00  }
0x42: {  	[tilespmem:s2], [sflag:$0x1] =	stream.linear.gather [hbm4b:s30+s2], $0xF400, $0x38;
	[tilespmem:$0x1E800] =	vst v63  }
0x43: {  	_ =	swait.ge [sflag:s23], $0xF400  }
0x44: {  	[sflag:s23] =	ssyncset.done $0x0  }
0x45: {  	s30 =	rddreg [dreg:$0xe];
	[sflag:s23] =	ssyncadd.s32 $0xFFFF0C00  }
0x46: {  	[hbm4b:s30+s2] =	stream.linear.scatter [tilespmem:s2], [sflag:$0x3], $0xF400, $0x38;
	[tilespmem:$0x1E800] =	vst v63  }
0x47: {  	_ =	swait.ge [sflag:s18], $0xF400  }
0x48: {  	[sflag:s18] =	ssyncset.done $0x0  }
0x49: {  	s30 =	rddreg [dreg:$0xf];
	[sflag:s18] =	ssyncadd.s32 $0xFFFF0C00  }
0x4a: {  	[tilespmem:s17], [sflag:$0x2] =	stream.linear.gather [hbm4b:s30+s2], $0xF400, $0x38;
	[tilespmem:$0x1E800] =	vst v63  }
0x4b: {  	_ =	swait.ge [sflag:s21], $0xF400  }
0x4c: {  	[sflag:s21] =	ssyncset.done $0x0  }
0x4d: {  	s30 =	rddreg [dreg:$0x10];
	[sflag:s21] =	ssyncadd.s32 $0xFFFF0C00  }
0x4e: {  	[hbm4b:s30+s2] =	stream.linear.scatter [tilespmem:s17], [sflag:$0x4], $0xF400, $0x38;
	[tilespmem:$0x1E800] =	vst v63  }
0x4f: {  	_ =	swait.ge [sflag:s19], $0xF400  }
0x50: {  	[sflag:s19] =	ssyncset.done $0x0  }
0x51: {  	s30 =	rddreg [dreg:$0x11];
	[sflag:s19] =	ssyncadd.s32 $0xFFFF0C00  }
0x52: {  	[tilespmem:s2], [sflag:$0x1] =	stream.linear.gather [hbm4b:s30+s2], $0xF400, $0x38;
	[tilespmem:$0x1E800] =	vst v63  }
0x53: {  	_ =	swait.ge [sflag:s23], $0xF400  }
0x54: {  	[sflag:s23] =	ssyncset.done $0x0  }
0x55: {  	s30 =	rddreg [dreg:$0x12];
	[sflag:s23] =	ssyncadd.s32 $0xFFFF0C00  }
0x56: {  	[hbm4b:s30+s2] =	stream.linear.scatter [tilespmem:s2], [sflag:$0x3], $0xF400, $0x38;
	[tilespmem:$0x1E800] =	vst v63  }
0x57: {  	_ =	swait.ge [sflag:s18], $0xF400  }
0x58: {  	[sflag:s18] =	ssyncset.done $0x0  }
0x59: {  	s30 =	rddreg [dreg:$0x13];
	[sflag:s18] =	ssyncadd.s32 $0xFFFF0C00  }
0x5a: {  	[tilespmem:s17], [sflag:$0x2] =	stream.linear.gather [hbm4b:s30+s2], $0xF400, $0x38;
	[tilespmem:$0x1E800] =	vst v63  }
0x5b: {  	_ =	swait.ge [sflag:s21], $0xF400  }
0x5c: {  	[sflag:s21] =	ssyncset.done $0x0  }
0x5d: {  	s30 =	rddreg [dreg:$0x14];
	[sflag:s21] =	ssyncadd.s32 $0xFFFF0C00  }
0x5e: {  	[hbm4b:s30+s2] =	stream.linear.scatter [tilespmem:s17], [sflag:$0x4], $0xF400, $0x38;
	[tilespmem:$0x1E800] =	vst v63  }
0x5f: {  	_ =	swait.ge [sflag:s19], $0xF400  }
0x60: {  	[sflag:s19] =	ssyncset.done $0x0  }
0x61: {  	s30 =	rddreg [dreg:$0x15];
	[sflag:s19] =	ssyncadd.s32 $0xFFFF0C00  }
0x62: {  	[tilespmem:s2], [sflag:$0x1] =	stream.linear.gather [hbm4b:s30+s2], $0xF400, $0x38;
	[tilespmem:$0x1E800] =	vst v63  }
0x63: {  	_ =	swait.ge [sflag:s23], $0xF400  }
0x64: {  	[sflag:s23] =	ssyncset.done $0x0  }
0x65: {  	s30 =	rddreg [dreg:$0x16];
	[sflag:s23] =	ssyncadd.s32 $0xFFFF0C00  }
0x66: {  	[hbm4b:s30+s2] =	stream.linear.scatter [tilespmem:s2], [sflag:$0x3], $0xF400, $0x38;
	[tilespmem:$0x1E800] =	vst v63  }
0x67: {  	_ =	swait.ge [sflag:s18], $0xF400  }
0x68: {  	[sflag:s18] =	ssyncset.done $0x0  }
0x69: {  	s30 =	rddreg [dreg:$0x17];
	[sflag:s18] =	ssyncadd.s32 $0xFFFF0C00  }
0x6a: {  	[tilespmem:s17], [sflag:$0x2] =	stream.linear.gather [hbm4b:s30+s2], $0xF400, $0x38;
	[tilespmem:$0x1E800] =	vst v63  }
0x6b: {  	_ =	swait.ge [sflag:s21], $0xF400  }
0x6c: {  	[sflag:s21] =	ssyncset.done $0x0  }
0x6d: {  	s30 =	rddreg [dreg:$0x18];
	[sflag:s21] =	ssyncadd.s32 $0xFFFF0C00  }
0x6e: {  	[hbm4b:s30+s2] =	stream.linear.scatter [tilespmem:s17], [sflag:$0x4], $0xF400, $0x38;
	[tilespmem:$0x1E800] =	vst v63  }
0x6f: {  	_ =	swait.ge [sflag:s19], $0xF400  }
0x70: {  	[sflag:s19] =	ssyncset.done $0x0  }
0x71: {  	[sflag:s19] =	ssyncadd.s32 $0xFFFF0C00  }
0x72: {  	[tilespmem:s2], [sflag:$0x1] =	stream.linear.gather [hbm4b:s28+s2], $0xF400, $0x38;
	[tilespmem:$0x1E800] =	vst v63  }
0x73: {  	_ =	swait.ge [sflag:s23], $0xF400  }
0x74: {  	[sflag:s23] =	ssyncset.done $0x0  }
0x75: {  	[sflag:s23] =	ssyncadd.s32 $0xFFFF0C00  }
0x76: {  	[hbm4b:s26+s2] =	stream.linear.scatter [tilespmem:s2], [sflag:$0x3], $0xF400, $0x38;
	[tilespmem:$0x1E800] =	vst v63  }
0x77: {  	_ =	swait.ge [sflag:s18], $0xF400  }
0x78: {  	[sflag:s18] =	ssyncset.done $0x0  }
0x79: {  	[sflag:s18] =	ssyncadd.s32 $0xFFFF0C00  }
0x7a: {  	[tilespmem:s17], [sflag:$0x2] =	stream.linear.gather [hbm4b:s25+s2], $0xF400, $0x38;
	[tilespmem:$0x1E800] =	vst v63  }
0x7b: {  	_ =	swait.ge [sflag:s21], $0xF400  }
0x7c: {  	[sflag:s21] =	ssyncset.done $0x0  }
0x7d: {  	[sflag:s21] =	ssyncadd.s32 $0xFFFF0C00  }
0x7e: {  	[hbm4b:s24+s2] =	stream.linear.scatter [tilespmem:s17], [sflag:$0x4], $0xF400, $0x38;
	[tilespmem:$0x1E800] =	vst v63  }
0x7f: {  	_ =	swait.ge [sflag:s19], $0xF400  }
0x80: {  	[sflag:s19] =	ssyncset.done $0x0  }
0x81: {  	[sflag:s19] =	ssyncadd.s32 $0xFFFF0C00  }
0x82: {  	[tilespmem:s2], [sflag:$0x1] =	stream.linear.gather [hbm4b:s22+s2], $0xF400, $0x38;
	[tilespmem:$0x1E800] =	vst v63  }
0x83: {  	_ =	swait.ge [sflag:s23], $0xF400  }
0x84: {  	[sflag:s23] =	ssyncset.done $0x0  }
0x85: {  	[sflag:s23] =	ssyncadd.s32 $0xFFFF0C00  }
0x86: {  	[hbm4b:s20+s2] =	stream.linear.scatter [tilespmem:s2], [sflag:$0x3], $0xF400, $0x38;
	[tilespmem:$0x1E800] =	vst v63  }
0x87: {  	_ =	swait.ge [sflag:s18], $0xF400  }
0x88: {  	[sflag:s18] =	ssyncset.done $0x0  }
0x89: {  	[sflag:s18] =	ssyncadd.s32 $0xFFFF0C00  }
0x8a: {  	[tilespmem:s17], [sflag:$0x2] =	stream.linear.gather [hbm4b:s16+s2], $0xF400, $0x38;
	[tilespmem:$0x1E800] =	vst v63  }
0x8b: {  	_ =	swait.ge [sflag:s21], $0xF400  }
0x8c: {  	[sflag:s21] =	ssyncset.done $0x0  }
0x8d: {  	[sflag:s21] =	ssyncadd.s32 $0xFFFF0C00  }
0x8e: {  	[hbm4b:s15+s2] =	stream.linear.scatter [tilespmem:s17], [sflag:$0x4], $0xF400, $0x38;
	[tilespmem:$0x1E800] =	vst v63  }
0x8f: {  	_ =	swait.ge [sflag:s19], $0xF400  }
0x90: {  	[sflag:s19] =	ssyncset.done $0x0  }
0x91: {  	[sflag:s19] =	ssyncadd.s32 $0xFFFF0C00  }
0x92: {  	[tilespmem:s2], [sflag:$0x1] =	stream.linear.gather [hbm4b:s14+s2], $0xF400, $0x38;
	[tilespmem:$0x1E800] =	vst v63  }
0x93: {  	_ =	swait.ge [sflag:s23], $0xF400  }
0x94: {  	[sflag:s23] =	ssyncset.done $0x0  }
0x95: {  	[sflag:s23] =	ssyncadd.s32 $0xFFFF0C00  }
0x96: {  	[hbm4b:s13+s2] =	stream.linear.scatter [tilespmem:s2], [sflag:$0x3], $0xF400, $0x38;
	[tilespmem:$0x1E800] =	vst v63  }
0x97: {  	_ =	swait.ge [sflag:s18], $0xF400  }
0x98: {  	[sflag:s18] =	ssyncset.done $0x0  }
0x99: {  	[sflag:s18] =	ssyncadd.s32 $0xFFFF0C00  }
0x9a: {  	[tilespmem:s17], [sflag:$0x2] =	stream.linear.gather [hbm4b:s12+s2], $0xF400, $0x38;
	[tilespmem:$0x1E800] =	vst v63  }
0x9b: {  	_ =	swait.ge [sflag:s21], $0xF400  }
0x9c: {  	[sflag:s21] =	ssyncset.done $0x0  }
0x9d: {  	[sflag:s21] =	ssyncadd.s32 $0xFFFF0C00  }
0x9e: {  	[hbm4b:s11+s2] =	stream.linear.scatter [tilespmem:s17], [sflag:$0x4], $0xF400, $0x38;
	[tilespmem:$0x1E800] =	vst v63  }
0x9f: {  	_ =	swait.ge [sflag:s19], $0xF400  }
0xa0: {  	[sflag:s19] =	ssyncset.done $0x0  }
0xa1: {  	[sflag:s19] =	ssyncadd.s32 $0xFFFF0C00  }
0xa2: {  	_ =	swait.ge [sflag:s18], $0xF400  }
0xa3: {  	[sflag:s18] =	ssyncset.done $0x0  }
0xa4: {  	s0 =	simm.s32 @!p0 $0x0;
	s31 =	simm.s32 @!p0 $0x1;
	[sflag:s18] =	ssyncadd.s32 $0xFFFF0C00  }
0xa5: {  	[tilespmem:s0], [sflag:$0x1] =	stream.linear.gather @!p0 [hbm4b:s10+s0], $0x400, $0x38;
	[tilespmem:$0x1E800] =	vst v63  }
0xa6: {  	_ =	swait.ge @!p0 [sflag:s31], $0x400  }
0xa7: {  	[sflag:s31] =	ssyncset.done @!p0 $0x0  }
0xa8: {  	s29 =	simm.s32 @!p0 $0x3;
	[sflag:s31] =	ssyncadd.s32 @!p0 $0xFFFFFC00  }
0xa9: {  	[hbm4b:s9+s0] =	stream.linear.scatter @!p0 [tilespmem:s0], [sflag:$0x3], $0x400, $0x38;
	[tilespmem:$0x1E800] =	vst v63  }
0xaa: {  	_ =	swait.ge @!p0 [sflag:s29], $0x400  }
0xab: {  	[sflag:s29] =	ssyncset.done @!p0 $0x0  }
0xac: {  	[sflag:s29] =	ssyncadd.s32 @!p0 $0xFFFFFC00  }
0xad: {  	[tilespmem:s0], [sflag:$0x1] =	stream.linear.gather @!p0 [hbm4b:s8+s0], $0x400, $0x38;
	[tilespmem:$0x1E800] =	vst v63  }
0xae: {  	_ =	swait.ge @!p0 [sflag:s31], $0x400  }
0xaf: {  	[sflag:s31] =	ssyncset.done @!p0 $0x0  }
0xb0: {  	[sflag:s31] =	ssyncadd.s32 @!p0 $0xFFFFFC00  }
0xb1: {  	[hbm4b:s7+s0] =	stream.linear.scatter @!p0 [tilespmem:s0], [sflag:$0x3], $0x400, $0x38;
	[tilespmem:$0x1E800] =	vst v63  }
0xb2: {  	_ =	swait.ge @!p0 [sflag:s29], $0x400  }
0xb3: {  	[sflag:s29] =	ssyncset.done @!p0 $0x0  }
0xb4: {  	[sflag:s29] =	ssyncadd.s32 @!p0 $0xFFFFFC00  }
0xb5: {  	[tilespmem:s0], [sflag:$0x1] =	stream.linear.gather @!p0 [hbm4b:s6+s0], $0x400, $0x38;
	[tilespmem:$0x1E800] =	vst v63  }
0xb6: {  	_ =	swait.ge @!p0 [sflag:s31], $0x400  }
0xb7: {  	[sflag:s31] =	ssyncset.done @!p0 $0x0  }
0xb8: {  	[sflag:s31] =	ssyncadd.s32 @!p0 $0xFFFFFC00  }
0xb9: {  	[hbm4b:s5+s0] =	stream.linear.scatter @!p0 [tilespmem:s0], [sflag:$0x3], $0x400, $0x38;
	[tilespmem:$0x1E800] =	vst v63  }
0xba: {  	_ =	swait.ge @!p0 [sflag:s29], $0x400  }
0xbb: {  	[sflag:s29] =	ssyncset.done @!p0 $0x0  }
0xbc: {  	s1 =	sadd.s32 $0xFFFFFFFF, s1;
	[sflag:s29] =	ssyncadd.s32 @!p0 $0xFFFFFC00  }
0xbd: {  	[tilespmem:s0], [sflag:$0x1] =	stream.linear.gather @!p0 [hbm4b:s4+s0], $0x400, $0x38;
	[tilespmem:$0x1E800] =	vst v63  }
0xbe: {  	p2 =	sne.s32 s1, $0x0;
	_ =	swait.ge @!p0 [sflag:s31], $0x400  }
.Ltmp1:
0xbf: {  	[sflag:s31] =	ssyncset.done @!p0 $0x0;
	(pc) =	sbr.rel @!p2 .LBB2_3-.Ltmp1, $4  }
0xc0: {  	[sflag:s31] =	ssyncadd.s32 @!p0 $0xFFFFFC00  }
0xc1: {  	[hbm4b:s3+s0] =	stream.linear.scatter @!p0 [tilespmem:s0], [sflag:$0x3], $0x400, $0x38;
	[tilespmem:$0x1E800] =	vst v63  }
0xc2: {  	_ =	swait.ge @!p0 [sflag:s29], $0x400  }
0xc3: {  	p1 =	por $0x1, $0x1;
	s0 =	rddreg [dreg:$0x5];
	[sflag:s29] =	ssyncset.done @!p0 $0x0  }
.LBB2_4:
0xc4: {  	[sflag:s29] =	ssyncadd.s32 @!p0 $0xFFFFFC00;
	s30 =	smov.u32 s28  }
0xc5: {  	s28 =	smov.u32 s26;
	s26 =	smov.u32 s25;
	s25 =	smov.u32 s24  }
0xc6: {  	s24 =	smov.u32 s22;
	s22 =	smov.u32 s20;
	s20 =	smov.u32 s16  }
0xc7: {  	s16 =	smov.u32 s15;
	s15 =	smov.u32 s14;
	s14 =	smov.u32 s13  }
0xc8: {  	s13 =	smov.u32 s12;
	s12 =	smov.u32 s11;
	s11 =	smov.u32 s10  }
0xc9: {  	[tilespmem:s2], [sflag:$0x1] =	stream.linear.gather [hbm4b:s0+s2], $0xF400, $0x38;
	[tilespmem:$0x1E800] =	vst v63  }
0xca: {  	s10 =	smov.u32 s9;
	s9 =	smov.u32 s8;
	_ =	swait.ge [sflag:s23], $0xF400  }
0xcb: {  	s8 =	smov.u32 s7;
	s7 =	smov.u32 s6;
	[sflag:s23] =	ssyncset.done $0x0  }
0xcc: {  	s6 =	smov.u32 s5;
	s0 =	rddreg [dreg:$0x6];
	[sflag:s23] =	ssyncadd.s32 $0xFFFF0C00  }
0xcd: {  	[hbm4b:s0+s2] =	stream.linear.scatter [tilespmem:s2], [sflag:$0x3], $0xF400, $0x38;
	[tilespmem:$0x1E800] =	vst v63  }
0xce: {  	s5 =	smov.u32 s4;
	s4 =	smov.u32 s3;
	s3 =	rddreg [dreg:$0x7]  }
0xcf: {  	[tilespmem:s17], [sflag:$0x2] =	stream.linear.gather [hbm4b:s3+s2], $0xF400, $0x38;
	[tilespmem:$0x1E800] =	vst v63  }
0xd0: {  	_ =	swait.ge [sflag:s21], $0xF400  }
0xd1: {  	[sflag:s21] =	ssyncset.done $0x0  }
0xd2: {  	s0 =	rddreg [dreg:$0x8];
	[sflag:s21] =	ssyncadd.s32 $0xFFFF0C00  }
0xd3: {  	[hbm4b:s0+s2] =	stream.linear.scatter [tilespmem:s17], [sflag:$0x4], $0xF400, $0x38;
	[tilespmem:$0x1E800] =	vst v63  }
0xd4: {  	_ =	swait.ge [sflag:s19], $0xF400  }
0xd5: {  	[sflag:s19] =	ssyncset.done $0x0  }
0xd6: {  	s0 =	rddreg [dreg:$0x9];
	[sflag:s19] =	ssyncadd.s32 $0xFFFF0C00  }
0xd7: {  	[tilespmem:s2], [sflag:$0x1] =	stream.linear.gather [hbm4b:s0+s2], $0xF400, $0x38;
	[tilespmem:$0x1E800] =	vst v63  }
0xd8: {  	_ =	swait.ge [sflag:s23], $0xF400  }
0xd9: {  	[sflag:s23] =	ssyncset.done $0x0  }
0xda: {  	s0 =	rddreg [dreg:$0xa];
	[sflag:s23] =	ssyncadd.s32 $0xFFFF0C00  }
0xdb: {  	[hbm4b:s0+s2] =	stream.linear.scatter [tilespmem:s2], [sflag:$0x3], $0xF400, $0x38;
	[tilespmem:$0x1E800] =	vst v63  }
0xdc: {  	_ =	swait.ge [sflag:s18], $0xF400  }
0xdd: {  	[sflag:s18] =	ssyncset.done $0x0  }
0xde: {  	s0 =	rddreg [dreg:$0xb];
	[sflag:s18] =	ssyncadd.s32 $0xFFFF0C00  }
0xdf: {  	[tilespmem:s17], [sflag:$0x2] =	stream.linear.gather [hbm4b:s0+s2], $0xF400, $0x38;
	[tilespmem:$0x1E800] =	vst v63  }
0xe0: {  	_ =	swait.ge [sflag:s21], $0xF400  }
0xe1: {  	[sflag:s21] =	ssyncset.done $0x0  }
0xe2: {  	s0 =	rddreg [dreg:$0xc];
	[sflag:s21] =	ssyncadd.s32 $0xFFFF0C00  }
0xe3: {  	[hbm4b:s0+s2] =	stream.linear.scatter [tilespmem:s17], [sflag:$0x4], $0xF400, $0x38;
	[tilespmem:$0x1E800] =	vst v63  }
0xe4: {  	_ =	swait.ge [sflag:s19], $0xF400  }
0xe5: {  	[sflag:s19] =	ssyncset.done $0x0  }
0xe6: {  	s0 =	rddreg [dreg:$0xd];
	[sflag:s19] =	ssyncadd.s32 $0xFFFF0C00  }
0xe7: {  	[tilespmem:s2], [sflag:$0x1] =	stream.linear.gather [hbm4b:s0+s2], $0xF400, $0x38;
	[tilespmem:$0x1E800] =	vst v63  }
0xe8: {  	_ =	swait.ge [sflag:s23], $0xF400  }
0xe9: {  	[sflag:s23] =	ssyncset.done $0x0  }
0xea: {  	s0 =	rddreg [dreg:$0xe];
	[sflag:s23] =	ssyncadd.s32 $0xFFFF0C00  }
0xeb: {  	[hbm4b:s0+s2] =	stream.linear.scatter [tilespmem:s2], [sflag:$0x3], $0xF400, $0x38;
	[tilespmem:$0x1E800] =	vst v63  }
0xec: {  	_ =	swait.ge [sflag:s18], $0xF400  }
0xed: {  	[sflag:s18] =	ssyncset.done $0x0  }
0xee: {  	s0 =	rddreg [dreg:$0xf];
	[sflag:s18] =	ssyncadd.s32 $0xFFFF0C00  }
0xef: {  	[tilespmem:s17], [sflag:$0x2] =	stream.linear.gather [hbm4b:s0+s2], $0xF400, $0x38;
	[tilespmem:$0x1E800] =	vst v63  }
0xf0: {  	_ =	swait.ge [sflag:s21], $0xF400  }
0xf1: {  	[sflag:s21] =	ssyncset.done $0x0  }
0xf2: {  	s0 =	rddreg [dreg:$0x10];
	[sflag:s21] =	ssyncadd.s32 $0xFFFF0C00  }
0xf3: {  	[hbm4b:s0+s2] =	stream.linear.scatter [tilespmem:s17], [sflag:$0x4], $0xF400, $0x38;
	[tilespmem:$0x1E800] =	vst v63  }
0xf4: {  	_ =	swait.ge [sflag:s19], $0xF400  }
0xf5: {  	[sflag:s19] =	ssyncset.done $0x0  }
0xf6: {  	s0 =	rddreg [dreg:$0x11];
	[sflag:s19] =	ssyncadd.s32 $0xFFFF0C00  }
0xf7: {  	[tilespmem:s2], [sflag:$0x1] =	stream.linear.gather [hbm4b:s0+s2], $0xF400, $0x38;
	[tilespmem:$0x1E800] =	vst v63  }
0xf8: {  	_ =	swait.ge [sflag:s23], $0xF400  }
0xf9: {  	[sflag:s23] =	ssyncset.done $0x0  }
0xfa: {  	s0 =	rddreg [dreg:$0x12];
	[sflag:s23] =	ssyncadd.s32 $0xFFFF0C00  }
0xfb: {  	[hbm4b:s0+s2] =	stream.linear.scatter [tilespmem:s2], [sflag:$0x3], $0xF400, $0x38;
	[tilespmem:$0x1E800] =	vst v63  }
0xfc: {  	_ =	swait.ge [sflag:s18], $0xF400  }
0xfd: {  	[sflag:s18] =	ssyncset.done $0x0  }
0xfe: {  	s0 =	rddreg [dreg:$0x13];
	[sflag:s18] =	ssyncadd.s32 $0xFFFF0C00  }
0xff: {  	[tilespmem:s17], [sflag:$0x2] =	stream.linear.gather [hbm4b:s0+s2], $0xF400, $0x38;
	[tilespmem:$0x1E800] =	vst v63  }
0x100: {  	_ =	swait.ge [sflag:s21], $0xF400  }
0x101: {  	[sflag:s21] =	ssyncset.done $0x0  }
0x102: {  	s0 =	rddreg [dreg:$0x14];
	[sflag:s21] =	ssyncadd.s32 $0xFFFF0C00  }
0x103: {  	[hbm4b:s0+s2] =	stream.linear.scatter [tilespmem:s17], [sflag:$0x4], $0xF400, $0x38;
	[tilespmem:$0x1E800] =	vst v63  }
0x104: {  	_ =	swait.ge [sflag:s19], $0xF400  }
0x105: {  	[sflag:s19] =	ssyncset.done $0x0  }
0x106: {  	s0 =	rddreg [dreg:$0x15];
	[sflag:s19] =	ssyncadd.s32 $0xFFFF0C00  }
0x107: {  	[tilespmem:s2], [sflag:$0x1] =	stream.linear.gather [hbm4b:s0+s2], $0xF400, $0x38;
	[tilespmem:$0x1E800] =	vst v63  }
0x108: {  	_ =	swait.ge [sflag:s23], $0xF400  }
0x109: {  	[sflag:s23] =	ssyncset.done $0x0  }
0x10a: {  	s0 =	rddreg [dreg:$0x16];
	[sflag:s23] =	ssyncadd.s32 $0xFFFF0C00  }
0x10b: {  	[hbm4b:s0+s2] =	stream.linear.scatter [tilespmem:s2], [sflag:$0x3], $0xF400, $0x38;
	[tilespmem:$0x1E800] =	vst v63  }
0x10c: {  	_ =	swait.ge [sflag:s18], $0xF400  }
0x10d: {  	s3 =	smov.u32 s4;
	[sflag:s18] =	ssyncset.done $0x0  }
0x10e: {  	s4 =	smov.u32 s5;
	s0 =	rddreg [dreg:$0x17];
	[sflag:s18] =	ssyncadd.s32 $0xFFFF0C00  }
0x10f: {  	[tilespmem:s17], [sflag:$0x2] =	stream.linear.gather [hbm4b:s0+s2], $0xF400, $0x38;
	[tilespmem:$0x1E800] =	vst v63  }
0x110: {  	s5 =	smov.u32 s6;
	s6 =	smov.u32 s7;
	_ =	swait.ge [sflag:s21], $0xF400  }
0x111: {  	s7 =	smov.u32 s8;
	s8 =	smov.u32 s9;
	[sflag:s21] =	ssyncset.done $0x0  }
0x112: {  	s9 =	smov.u32 s10;
	s0 =	rddreg [dreg:$0x18];
	[sflag:s21] =	ssyncadd.s32 $0xFFFF0C00  }
0x113: {  	[hbm4b:s0+s2] =	stream.linear.scatter [tilespmem:s17], [sflag:$0x4], $0xF400, $0x38;
	[tilespmem:$0x1E800] =	vst v63  }
0x114: {  	s10 =	smov.u32 s11;
	s11 =	smov.u32 s12;
	_ =	swait.ge [sflag:s19], $0xF400  }
0x115: {  	s12 =	smov.u32 s13;
	s13 =	smov.u32 s14;
	[sflag:s19] =	ssyncset.done $0x0  }
0x116: {  	s14 =	smov.u32 s15;
	s15 =	smov.u32 s16;
	[sflag:s19] =	ssyncadd.s32 $0xFFFF0C00  }
0x117: {  	[tilespmem:s2], [sflag:$0x1] =	stream.linear.gather [hbm4b:s30+s2], $0xF400, $0x38;
	[tilespmem:$0x1E800] =	vst v63  }
0x118: {  	s16 =	smov.u32 s20;
	s20 =	smov.u32 s22;
	_ =	swait.ge [sflag:s23], $0xF400  }
0x119: {  	s22 =	smov.u32 s24;
	s24 =	smov.u32 s25;
	[sflag:s23] =	ssyncset.done $0x0  }
0x11a: {  	s25 =	smov.u32 s26;
	s26 =	smov.u32 s28;
	[sflag:s23] =	ssyncadd.s32 $0xFFFF0C00  }
0x11b: {  	[hbm4b:s26+s2] =	stream.linear.scatter [tilespmem:s2], [sflag:$0x3], $0xF400, $0x38;
	[tilespmem:$0x1E800] =	vst v63  }
0x11c: {  	_ =	swait.ge [sflag:s18], $0xF400  }
0x11d: {  	[sflag:s18] =	ssyncset.done $0x0  }
0x11e: {  	[sflag:s18] =	ssyncadd.s32 $0xFFFF0C00  }
0x11f: {  	[tilespmem:s17], [sflag:$0x2] =	stream.linear.gather [hbm4b:s25+s2], $0xF400, $0x38;
	[tilespmem:$0x1E800] =	vst v63  }
0x120: {  	_ =	swait.ge [sflag:s21], $0xF400  }
0x121: {  	[sflag:s21] =	ssyncset.done $0x0  }
0x122: {  	[sflag:s21] =	ssyncadd.s32 $0xFFFF0C00  }
0x123: {  	[hbm4b:s24+s2] =	stream.linear.scatter [tilespmem:s17], [sflag:$0x4], $0xF400, $0x38;
	[tilespmem:$0x1E800] =	vst v63  }
0x124: {  	_ =	swait.ge [sflag:s19], $0xF400  }
0x125: {  	[sflag:s19] =	ssyncset.done $0x0  }
0x126: {  	[sflag:s19] =	ssyncadd.s32 $0xFFFF0C00  }
0x127: {  	[tilespmem:s2], [sflag:$0x1] =	stream.linear.gather [hbm4b:s22+s2], $0xF400, $0x38;
	[tilespmem:$0x1E800] =	vst v63  }
0x128: {  	_ =	swait.ge [sflag:s23], $0xF400  }
0x129: {  	[sflag:s23] =	ssyncset.done $0x0  }
0x12a: {  	[sflag:s23] =	ssyncadd.s32 $0xFFFF0C00  }
0x12b: {  	[hbm4b:s20+s2] =	stream.linear.scatter [tilespmem:s2], [sflag:$0x3], $0xF400, $0x38;
	[tilespmem:$0x1E800] =	vst v63  }
0x12c: {  	_ =	swait.ge [sflag:s18], $0xF400  }
0x12d: {  	[sflag:s18] =	ssyncset.done $0x0  }
0x12e: {  	[sflag:s18] =	ssyncadd.s32 $0xFFFF0C00  }
0x12f: {  	[tilespmem:s17], [sflag:$0x2] =	stream.linear.gather [hbm4b:s16+s2], $0xF400, $0x38;
	[tilespmem:$0x1E800] =	vst v63  }
0x130: {  	_ =	swait.ge [sflag:s21], $0xF400  }
0x131: {  	[sflag:s21] =	ssyncset.done $0x0  }
0x132: {  	[sflag:s21] =	ssyncadd.s32 $0xFFFF0C00  }
0x133: {  	[hbm4b:s15+s2] =	stream.linear.scatter [tilespmem:s17], [sflag:$0x4], $0xF400, $0x38;
	[tilespmem:$0x1E800] =	vst v63  }
0x134: {  	_ =	swait.ge [sflag:s19], $0xF400  }
0x135: {  	[sflag:s19] =	ssyncset.done $0x0  }
0x136: {  	[sflag:s19] =	ssyncadd.s32 $0xFFFF0C00  }
0x137: {  	[tilespmem:s2], [sflag:$0x1] =	stream.linear.gather [hbm4b:s14+s2], $0xF400, $0x38;
	[tilespmem:$0x1E800] =	vst v63  }
0x138: {  	_ =	swait.ge [sflag:s23], $0xF400  }
0x139: {  	[sflag:s23] =	ssyncset.done $0x0  }
0x13a: {  	[sflag:s23] =	ssyncadd.s32 $0xFFFF0C00  }
0x13b: {  	[hbm4b:s13+s2] =	stream.linear.scatter [tilespmem:s2], [sflag:$0x3], $0xF400, $0x38;
	[tilespmem:$0x1E800] =	vst v63  }
0x13c: {  	_ =	swait.ge [sflag:s18], $0xF400  }
0x13d: {  	[sflag:s18] =	ssyncset.done $0x0  }
0x13e: {  	[sflag:s18] =	ssyncadd.s32 $0xFFFF0C00  }
0x13f: {  	[tilespmem:s17], [sflag:$0x2] =	stream.linear.gather [hbm4b:s12+s2], $0xF400, $0x38;
	[tilespmem:$0x1E800] =	vst v63  }
0x140: {  	_ =	swait.ge [sflag:s21], $0xF400  }
0x141: {  	[sflag:s21] =	ssyncset.done $0x0  }
0x142: {  	[sflag:s21] =	ssyncadd.s32 $0xFFFF0C00  }
0x143: {  	[hbm4b:s11+s2] =	stream.linear.scatter [tilespmem:s17], [sflag:$0x4], $0xF400, $0x38;
	[tilespmem:$0x1E800] =	vst v63  }
0x144: {  	_ =	swait.ge [sflag:s19], $0xF400  }
0x145: {  	[sflag:s19] =	ssyncset.done $0x0  }
0x146: {  	[sflag:s19] =	ssyncadd.s32 $0xFFFF0C00  }
0x147: {  	_ =	swait.ge [sflag:s18], $0xF400  }
0x148: {  	[sflag:s18] =	ssyncset.done $0x0  }
0x149: {  	s0 =	simm.s32 @!p0 $0x0;
	[sflag:s18] =	ssyncadd.s32 $0xFFFF0C00  }
0x14a: {  	[tilespmem:s0], [sflag:$0x1] =	stream.linear.gather @!p0 [hbm4b:s10+s0], $0x400, $0x38;
	[tilespmem:$0x1E800] =	vst v63  }
0x14b: {  	_ =	swait.ge @!p0 [sflag:s31], $0x400  }
0x14c: {  	[sflag:s31] =	ssyncset.done @!p0 $0x0  }
0x14d: {  	[sflag:s31] =	ssyncadd.s32 @!p0 $0xFFFFFC00  }
0x14e: {  	[hbm4b:s9+s0] =	stream.linear.scatter @!p0 [tilespmem:s0], [sflag:$0x3], $0x400, $0x38;
	[tilespmem:$0x1E800] =	vst v63  }
0x14f: {  	_ =	swait.ge @!p0 [sflag:s29], $0x400  }
0x150: {  	[sflag:s29] =	ssyncset.done @!p0 $0x0  }
0x151: {  	[sflag:s29] =	ssyncadd.s32 @!p0 $0xFFFFFC00  }
0x152: {  	[tilespmem:s0], [sflag:$0x1] =	stream.linear.gather @!p0 [hbm4b:s8+s0], $0x400, $0x38;
	[tilespmem:$0x1E800] =	vst v63  }
0x153: {  	_ =	swait.ge @!p0 [sflag:s31], $0x400  }
0x154: {  	[sflag:s31] =	ssyncset.done @!p0 $0x0  }
0x155: {  	[sflag:s31] =	ssyncadd.s32 @!p0 $0xFFFFFC00  }
0x156: {  	[hbm4b:s7+s0] =	stream.linear.scatter @!p0 [tilespmem:s0], [sflag:$0x3], $0x400, $0x38;
	[tilespmem:$0x1E800] =	vst v63  }
0x157: {  	_ =	swait.ge @!p0 [sflag:s29], $0x400  }
0x158: {  	[sflag:s29] =	ssyncset.done @!p0 $0x0  }
0x159: {  	[sflag:s29] =	ssyncadd.s32 @!p0 $0xFFFFFC00  }
0x15a: {  	[tilespmem:s0], [sflag:$0x1] =	stream.linear.gather @!p0 [hbm4b:s6+s0], $0x400, $0x38;
	[tilespmem:$0x1E800] =	vst v63  }
0x15b: {  	_ =	swait.ge @!p0 [sflag:s31], $0x400  }
0x15c: {  	[sflag:s31] =	ssyncset.done @!p0 $0x0  }
0x15d: {  	[sflag:s31] =	ssyncadd.s32 @!p0 $0xFFFFFC00  }
0x15e: {  	[hbm4b:s5+s0] =	stream.linear.scatter @!p0 [tilespmem:s0], [sflag:$0x3], $0x400, $0x38;
	[tilespmem:$0x1E800] =	vst v63  }
0x15f: {  	_ =	swait.ge @!p0 [sflag:s29], $0x400  }
0x160: {  	[sflag:s29] =	ssyncset.done @!p0 $0x0  }
0x161: {  	s1 =	sadd.s32 $0xFFFFFFFF, s1;
	[sflag:s29] =	ssyncadd.s32 @!p0 $0xFFFFFC00  }
0x162: {  	[tilespmem:s0], [sflag:$0x1] =	stream.linear.gather @!p0 [hbm4b:s4+s0], $0x400, $0x38;
	[tilespmem:$0x1E800] =	vst v63  }
0x163: {  	p2 =	sne.s32 s1, $0x0;
	_ =	swait.ge @!p0 [sflag:s31], $0x400  }
.Ltmp2:
0x164: {  	[sflag:s31] =	ssyncset.done @!p0 $0x0;
	(pc) =	sbr.rel @p2 .LBB2_4-.Ltmp2, $4  }
0x165: {  	[sflag:s31] =	ssyncadd.s32 @!p0 $0xFFFFFC00  }
0x166: {  	[hbm4b:s3+s0] =	stream.linear.scatter @!p0 [tilespmem:s0], [sflag:$0x3], $0x400, $0x38;
	[tilespmem:$0x1E800] =	vst v63  }
0x167: {  	_ =	swait.ge @!p0 [sflag:s29], $0x400  }
0x168: {  	s28 =	smov.u32 s30;
	s0 =	rddreg [dreg:$0x5];
	[sflag:s29] =	ssyncset.done @!p0 $0x0  }
0x169: {  	s30 =	stileid.u32;
	s31 =	rddreg [dreg:$0x4]  }
.LBB2_6:
0x16a: {  	p1 =	por p0, !p1  }
0x16b: {  	[sflag:s29] =	ssyncadd.s32 @!p1 $0xFFFFFC00  }
0x16c: {  	[tilespmem:s2], [sflag:$0x1] =	stream.linear.gather [hbm4b:s0+s2], $0xF400, $0x38;
	[tilespmem:$0x1E800] =	vst v63  }
0x16d: {  	_ =	swait.ge [sflag:s23], $0xF400  }
0x16e: {  	[sflag:s23] =	ssyncset.done $0x0  }
0x16f: {  	s29 =	rddreg [dreg:$0x6];
	[sflag:s23] =	ssyncadd.s32 $0xFFFF0C00  }
0x170: {  	[hbm4b:s29+s2] =	stream.linear.scatter [tilespmem:s2], [sflag:$0x3], $0xF400, $0x38;
	[tilespmem:$0x1E800] =	vst v63  }
0x171: {  	s1 =	rddreg [dreg:$0x7]  }
0x172: {  	[tilespmem:s17], [sflag:$0x2] =	stream.linear.gather [hbm4b:s1+s2], $0xF400, $0x38;
	[tilespmem:$0x1E800] =	vst v63  }
0x173: {  	_ =	swait.ge [sflag:s21], $0xF400  }
0x174: {  	[sflag:s21] =	ssyncset.done $0x0  }
0x175: {  	s29 =	rddreg [dreg:$0x8];
	[sflag:s21] =	ssyncadd.s32 $0xFFFF0C00  }
0x176: {  	[hbm4b:s29+s2] =	stream.linear.scatter [tilespmem:s17], [sflag:$0x4], $0xF400, $0x38;
	[tilespmem:$0x1E800] =	vst v63  }
0x177: {  	_ =	swait.ge [sflag:s19], $0xF400  }
0x178: {  	[sflag:s19] =	ssyncset.done $0x0  }
0x179: {  	s1 =	rddreg [dreg:$0x9];
	[sflag:s19] =	ssyncadd.s32 $0xFFFF0C00  }
0x17a: {  	[tilespmem:s2], [sflag:$0x1] =	stream.linear.gather [hbm4b:s1+s2], $0xF400, $0x38;
	[tilespmem:$0x1E800] =	vst v63  }
0x17b: {  	_ =	swait.ge [sflag:s23], $0xF400  }
0x17c: {  	[sflag:s23] =	ssyncset.done $0x0  }
0x17d: {  	s29 =	rddreg [dreg:$0xa];
	[sflag:s23] =	ssyncadd.s32 $0xFFFF0C00  }
0x17e: {  	[hbm4b:s29+s2] =	stream.linear.scatter [tilespmem:s2], [sflag:$0x3], $0xF400, $0x38;
	[tilespmem:$0x1E800] =	vst v63  }
0x17f: {  	_ =	swait.ge [sflag:s18], $0xF400  }
0x180: {  	[sflag:s18] =	ssyncset.done $0x0  }
0x181: {  	s1 =	rddreg [dreg:$0xb];
	[sflag:s18] =	ssyncadd.s32 $0xFFFF0C00  }
0x182: {  	[tilespmem:s17], [sflag:$0x2] =	stream.linear.gather [hbm4b:s1+s2], $0xF400, $0x38;
	[tilespmem:$0x1E800] =	vst v63  }
0x183: {  	_ =	swait.ge [sflag:s21], $0xF400  }
0x184: {  	[sflag:s21] =	ssyncset.done $0x0  }
0x185: {  	s29 =	rddreg [dreg:$0xc];
	[sflag:s21] =	ssyncadd.s32 $0xFFFF0C00  }
0x186: {  	[hbm4b:s29+s2] =	stream.linear.scatter [tilespmem:s17], [sflag:$0x4], $0xF400, $0x38;
	[tilespmem:$0x1E800] =	vst v63  }
0x187: {  	_ =	swait.ge [sflag:s19], $0xF400  }
0x188: {  	[sflag:s19] =	ssyncset.done $0x0  }
0x189: {  	s1 =	rddreg [dreg:$0xd];
	[sflag:s19] =	ssyncadd.s32 $0xFFFF0C00  }
0x18a: {  	[tilespmem:s2], [sflag:$0x1] =	stream.linear.gather [hbm4b:s1+s2], $0xF400, $0x38;
	[tilespmem:$0x1E800] =	vst v63  }
0x18b: {  	_ =	swait.ge [sflag:s23], $0xF400  }
0x18c: {  	[sflag:s23] =	ssyncset.done $0x0  }
0x18d: {  	s29 =	rddreg [dreg:$0xe];
	[sflag:s23] =	ssyncadd.s32 $0xFFFF0C00  }
0x18e: {  	[hbm4b:s29+s2] =	stream.linear.scatter [tilespmem:s2], [sflag:$0x3], $0xF400, $0x38;
	[tilespmem:$0x1E800] =	vst v63  }
0x18f: {  	_ =	swait.ge [sflag:s18], $0xF400  }
0x190: {  	[sflag:s18] =	ssyncset.done $0x0  }
0x191: {  	s1 =	rddreg [dreg:$0xf];
	[sflag:s18] =	ssyncadd.s32 $0xFFFF0C00  }
0x192: {  	[tilespmem:s17], [sflag:$0x2] =	stream.linear.gather [hbm4b:s1+s2], $0xF400, $0x38;
	[tilespmem:$0x1E800] =	vst v63  }
0x193: {  	_ =	swait.ge [sflag:s21], $0xF400  }
0x194: {  	[sflag:s21] =	ssyncset.done $0x0  }
0x195: {  	s29 =	rddreg [dreg:$0x10];
	[sflag:s21] =	ssyncadd.s32 $0xFFFF0C00  }
0x196: {  	[hbm4b:s29+s2] =	stream.linear.scatter [tilespmem:s17], [sflag:$0x4], $0xF400, $0x38;
	[tilespmem:$0x1E800] =	vst v63  }
0x197: {  	_ =	swait.ge [sflag:s19], $0xF400  }
0x198: {  	[sflag:s19] =	ssyncset.done $0x0  }
0x199: {  	s1 =	rddreg [dreg:$0x11];
	[sflag:s19] =	ssyncadd.s32 $0xFFFF0C00  }
0x19a: {  	[tilespmem:s2], [sflag:$0x1] =	stream.linear.gather [hbm4b:s1+s2], $0xF400, $0x38;
	[tilespmem:$0x1E800] =	vst v63  }
0x19b: {  	_ =	swait.ge [sflag:s23], $0xF400  }
0x19c: {  	[sflag:s23] =	ssyncset.done $0x0  }
0x19d: {  	s29 =	rddreg [dreg:$0x12];
	[sflag:s23] =	ssyncadd.s32 $0xFFFF0C00  }
0x19e: {  	[hbm4b:s29+s2] =	stream.linear.scatter [tilespmem:s2], [sflag:$0x3], $0xF400, $0x38;
	[tilespmem:$0x1E800] =	vst v63  }
0x19f: {  	_ =	swait.ge [sflag:s18], $0xF400  }
0x1a0: {  	[sflag:s18] =	ssyncset.done $0x0  }
0x1a1: {  	s1 =	rddreg [dreg:$0x13];
	[sflag:s18] =	ssyncadd.s32 $0xFFFF0C00  }
0x1a2: {  	[tilespmem:s17], [sflag:$0x2] =	stream.linear.gather [hbm4b:s1+s2], $0xF400, $0x38;
	[tilespmem:$0x1E800] =	vst v63  }
0x1a3: {  	_ =	swait.ge [sflag:s21], $0xF400  }
0x1a4: {  	[sflag:s21] =	ssyncset.done $0x0  }
0x1a5: {  	s29 =	rddreg [dreg:$0x14];
	[sflag:s21] =	ssyncadd.s32 $0xFFFF0C00  }
0x1a6: {  	[hbm4b:s29+s2] =	stream.linear.scatter [tilespmem:s17], [sflag:$0x4], $0xF400, $0x38;
	[tilespmem:$0x1E800] =	vst v63  }
0x1a7: {  	_ =	swait.ge [sflag:s19], $0xF400  }
0x1a8: {  	[sflag:s19] =	ssyncset.done $0x0  }
0x1a9: {  	s1 =	rddreg [dreg:$0x15];
	[sflag:s19] =	ssyncadd.s32 $0xFFFF0C00  }
0x1aa: {  	[tilespmem:s2], [sflag:$0x1] =	stream.linear.gather [hbm4b:s1+s2], $0xF400, $0x38;
	[tilespmem:$0x1E800] =	vst v63  }
0x1ab: {  	_ =	swait.ge [sflag:s23], $0xF400  }
0x1ac: {  	[sflag:s23] =	ssyncset.done $0x0  }
0x1ad: {  	s29 =	rddreg [dreg:$0x16];
	[sflag:s23] =	ssyncadd.s32 $0xFFFF0C00  }
0x1ae: {  	[hbm4b:s29+s2] =	stream.linear.scatter [tilespmem:s2], [sflag:$0x3], $0xF400, $0x38;
	[tilespmem:$0x1E800] =	vst v63  }
0x1af: {  	_ =	swait.ge [sflag:s18], $0xF400  }
0x1b0: {  	[sflag:s18] =	ssyncset.done $0x0  }
0x1b1: {  	s1 =	rddreg [dreg:$0x17];
	[sflag:s18] =	ssyncadd.s32 $0xFFFF0C00  }
0x1b2: {  	[tilespmem:s17], [sflag:$0x2] =	stream.linear.gather [hbm4b:s1+s2], $0xF400, $0x38;
	[tilespmem:$0x1E800] =	vst v63  }
0x1b3: {  	_ =	swait.ge [sflag:s21], $0xF400  }
0x1b4: {  	[sflag:s21] =	ssyncset.done $0x0  }
0x1b5: {  	s29 =	rddreg [dreg:$0x18];
	[sflag:s21] =	ssyncadd.s32 $0xFFFF0C00  }
0x1b6: {  	[hbm4b:s29+s2] =	stream.linear.scatter [tilespmem:s17], [sflag:$0x4], $0xF400, $0x38;
	[tilespmem:$0x1E800] =	vst v63  }
0x1b7: {  	_ =	swait.ge [sflag:s19], $0xF400  }
0x1b8: {  	[sflag:s19] =	ssyncset.done $0x0  }
0x1b9: {  	[sflag:s19] =	ssyncadd.s32 $0xFFFF0C00  }
0x1ba: {  	[tilespmem:s2], [sflag:$0x1] =	stream.linear.gather [hbm4b:s28+s2], $0xF400, $0x38;
	[tilespmem:$0x1E800] =	vst v63  }
0x1bb: {  	_ =	swait.ge [sflag:s23], $0xF400  }
0x1bc: {  	[sflag:s23] =	ssyncset.done $0x0  }
0x1bd: {  	[sflag:s23] =	ssyncadd.s32 $0xFFFF0C00  }
0x1be: {  	[hbm4b:s26+s2] =	stream.linear.scatter [tilespmem:s2], [sflag:$0x3], $0xF400, $0x38;
	[tilespmem:$0x1E800] =	vst v63  }
0x1bf: {  	_ =	swait.ge [sflag:s18], $0xF400  }
0x1c0: {  	[sflag:s18] =	ssyncset.done $0x0  }
0x1c1: {  	[sflag:s18] =	ssyncadd.s32 $0xFFFF0C00  }
0x1c2: {  	[tilespmem:s17], [sflag:$0x2] =	stream.linear.gather [hbm4b:s25+s2], $0xF400, $0x38;
	[tilespmem:$0x1E800] =	vst v63  }
0x1c3: {  	_ =	swait.ge [sflag:s21], $0xF400  }
0x1c4: {  	[sflag:s21] =	ssyncset.done $0x0  }
0x1c5: {  	[sflag:s21] =	ssyncadd.s32 $0xFFFF0C00  }
0x1c6: {  	[hbm4b:s24+s2] =	stream.linear.scatter [tilespmem:s17], [sflag:$0x4], $0xF400, $0x38;
	[tilespmem:$0x1E800] =	vst v63  }
0x1c7: {  	_ =	swait.ge [sflag:s19], $0xF400  }
0x1c8: {  	[sflag:s19] =	ssyncset.done $0x0  }
0x1c9: {  	[sflag:s19] =	ssyncadd.s32 $0xFFFF0C00  }
0x1ca: {  	[tilespmem:s2], [sflag:$0x1] =	stream.linear.gather [hbm4b:s22+s2], $0xF400, $0x38;
	[tilespmem:$0x1E800] =	vst v63  }
0x1cb: {  	_ =	swait.ge [sflag:s23], $0xF400  }
0x1cc: {  	[sflag:s23] =	ssyncset.done $0x0  }
0x1cd: {  	[sflag:s23] =	ssyncadd.s32 $0xFFFF0C00  }
0x1ce: {  	[hbm4b:s20+s2] =	stream.linear.scatter [tilespmem:s2], [sflag:$0x3], $0xF400, $0x38;
	[tilespmem:$0x1E800] =	vst v63  }
0x1cf: {  	_ =	swait.ge [sflag:s18], $0xF400  }
0x1d0: {  	[sflag:s18] =	ssyncset.done $0x0  }
0x1d1: {  	[sflag:s18] =	ssyncadd.s32 $0xFFFF0C00  }
0x1d2: {  	[tilespmem:s17], [sflag:$0x2] =	stream.linear.gather [hbm4b:s16+s2], $0xF400, $0x38;
	[tilespmem:$0x1E800] =	vst v63  }
0x1d3: {  	_ =	swait.ge [sflag:s21], $0xF400  }
0x1d4: {  	[sflag:s21] =	ssyncset.done $0x0  }
0x1d5: {  	[sflag:s21] =	ssyncadd.s32 $0xFFFF0C00  }
0x1d6: {  	[hbm4b:s15+s2] =	stream.linear.scatter [tilespmem:s17], [sflag:$0x4], $0xF400, $0x38;
	[tilespmem:$0x1E800] =	vst v63  }
0x1d7: {  	_ =	swait.ge [sflag:s19], $0xF400  }
0x1d8: {  	[sflag:s19] =	ssyncset.done $0x0  }
0x1d9: {  	[sflag:s19] =	ssyncadd.s32 $0xFFFF0C00  }
0x1da: {  	[tilespmem:s2], [sflag:$0x1] =	stream.linear.gather [hbm4b:s14+s2], $0xF400, $0x38;
	[tilespmem:$0x1E800] =	vst v63  }
0x1db: {  	_ =	swait.ge [sflag:s23], $0xF400  }
0x1dc: {  	[sflag:s23] =	ssyncset.done $0x0  }
0x1dd: {  	[sflag:s23] =	ssyncadd.s32 $0xFFFF0C00  }
0x1de: {  	[hbm4b:s13+s2] =	stream.linear.scatter [tilespmem:s2], [sflag:$0x3], $0xF400, $0x38;
	[tilespmem:$0x1E800] =	vst v63  }
0x1df: {  	_ =	swait.ge [sflag:s18], $0xF400  }
0x1e0: {  	[sflag:s18] =	ssyncset.done $0x0  }
0x1e1: {  	[sflag:s18] =	ssyncadd.s32 $0xFFFF0C00  }
0x1e2: {  	[tilespmem:s17], [sflag:$0x2] =	stream.linear.gather [hbm4b:s12+s2], $0xF400, $0x38;
	[tilespmem:$0x1E800] =	vst v63  }
0x1e3: {  	_ =	swait.ge [sflag:s21], $0xF400  }
0x1e4: {  	[sflag:s21] =	ssyncset.done $0x0  }
0x1e5: {  	[sflag:s21] =	ssyncadd.s32 $0xFFFF0C00  }
0x1e6: {  	[hbm4b:s11+s2] =	stream.linear.scatter [tilespmem:s17], [sflag:$0x4], $0xF400, $0x38;
	[tilespmem:$0x1E800] =	vst v63  }
0x1e7: {  	_ =	swait.ge [sflag:s19], $0xF400  }
0x1e8: {  	[sflag:s19] =	ssyncset.done $0x0  }
0x1e9: {  	[sflag:s19] =	ssyncadd.s32 $0xFFFF0C00  }
0x1ea: {  	_ =	swait.ge [sflag:s18], $0xF400  }
0x1eb: {  	[sflag:s18] =	ssyncset.done $0x0  }
0x1ec: {  	s0 =	simm.s32 @!p0 $0x0;
	s1 =	simm.s32 @!p0 $0x1;
	[sflag:s18] =	ssyncadd.s32 $0xFFFF0C00  }
0x1ed: {  	[tilespmem:s0], [sflag:$0x1] =	stream.linear.gather @!p0 [hbm4b:s10+s0], $0x400, $0x38;
	[tilespmem:$0x1E800] =	vst v63  }
0x1ee: {  	_ =	swait.ge @!p0 [sflag:s1], $0x400  }
0x1ef: {  	[sflag:s1] =	ssyncset.done @!p0 $0x0  }
0x1f0: {  	s2 =	simm.s32 @!p0 $0x3;
	[sflag:s1] =	ssyncadd.s32 @!p0 $0xFFFFFC00  }
0x1f1: {  	[hbm4b:s9+s0] =	stream.linear.scatter @!p0 [tilespmem:s0], [sflag:$0x3], $0x400, $0x38;
	[tilespmem:$0x1E800] =	vst v63  }
0x1f2: {  	_ =	swait.ge @!p0 [sflag:s2], $0x400  }
0x1f3: {  	[sflag:s2] =	ssyncset.done @!p0 $0x0  }
0x1f4: {  	[sflag:s2] =	ssyncadd.s32 @!p0 $0xFFFFFC00  }
0x1f5: {  	[tilespmem:s0], [sflag:$0x1] =	stream.linear.gather @!p0 [hbm4b:s8+s0], $0x400, $0x38;
	[tilespmem:$0x1E800] =	vst v63  }
0x1f6: {  	_ =	swait.ge @!p0 [sflag:s1], $0x400  }
0x1f7: {  	[sflag:s1] =	ssyncset.done @!p0 $0x0  }
0x1f8: {  	[sflag:s1] =	ssyncadd.s32 @!p0 $0xFFFFFC00  }
0x1f9: {  	[hbm4b:s7+s0] =	stream.linear.scatter @!p0 [tilespmem:s0], [sflag:$0x3], $0x400, $0x38;
	[tilespmem:$0x1E800] =	vst v63  }
0x1fa: {  	_ =	swait.ge @!p0 [sflag:s2], $0x400  }
0x1fb: {  	[sflag:s2] =	ssyncset.done @!p0 $0x0  }
0x1fc: {  	[sflag:s2] =	ssyncadd.s32 @!p0 $0xFFFFFC00  }
0x1fd: {  	[tilespmem:s0], [sflag:$0x1] =	stream.linear.gather @!p0 [hbm4b:s6+s0], $0x400, $0x38;
	[tilespmem:$0x1E800] =	vst v63  }
0x1fe: {  	_ =	swait.ge @!p0 [sflag:s1], $0x400  }
0x1ff: {  	[sflag:s1] =	ssyncset.done @!p0 $0x0  }
0x200: {  	[sflag:s1] =	ssyncadd.s32 @!p0 $0xFFFFFC00  }
0x201: {  	[hbm4b:s5+s0] =	stream.linear.scatter @!p0 [tilespmem:s0], [sflag:$0x3], $0x400, $0x38;
	[tilespmem:$0x1E800] =	vst v63  }
0x202: {  	_ =	swait.ge @!p0 [sflag:s2], $0x400  }
0x203: {  	[sflag:s2] =	ssyncset.done @!p0 $0x0  }
0x204: {  	[sflag:s2] =	ssyncadd.s32 @!p0 $0xFFFFFC00  }
0x205: {  	[tilespmem:s0], [sflag:$0x1] =	stream.linear.gather @!p0 [hbm4b:s4+s0], $0x400, $0x38;
	[tilespmem:$0x1E800] =	vst v63  }
0x206: {  	_ =	swait.ge @!p0 [sflag:s1], $0x400  }
0x207: {  	[sflag:s1] =	ssyncset.done @!p0 $0x0  }
0x208: {  	[sflag:s1] =	ssyncadd.s32 @!p0 $0xFFFFFC00  }
0x209: {  	[hbm4b:s3+s0] =	stream.linear.scatter @!p0 [tilespmem:s0], [sflag:$0x3], $0x400, $0x38;
	[tilespmem:$0x1E800] =	vst v63  }
0x20a: {  	_ =	swait.ge @!p0 [sflag:s2], $0x400  }
0x20b: {  	[sflag:s2] =	ssyncset.done @!p0 $0x0  }
0x20c: {  	[sflag:s2] =	ssyncadd.s32 @!p0 $0xFFFFFC00  }
0x20d: {  	_ =	sfence.sel $0x180000  }
0x20e: {  	[bflag:$0x0] =	sbarrier.arrive $0xFFFF  }
0x20f: {  	p0 =	sne.s32 s30, $0x0;
	_ =	strace $0x90000047  }
0x210: {  	s0 =	sadd.s32 @!p0 $0x100000, s31;
	[bflag:$0x2] =	sbarrier.arrive $0xFFFF  }
0x211: {  	[sflag:s0] =	ssyncadd.tile.s32 @!p0 $0x1;
	_ =	shalt  }
.LBB2_1:
.Ltmp3:
0x212: {  	(pc) =	sbr.rel .LBB2_6-.Ltmp3, $2  }
0x213: {  	_ =	sdelay $0x2  }
0x214: {  	_ = 	snop  }
.LBB2_3:
.Ltmp4:
0x215: {  	(pc) =	sbr.rel .LBB2_6-.Ltmp4, $2  }
0x216: {  	_ =	sdelay $0x2  }
0x217: {  	s30 =	stileid.u32;
	s31 =	rddreg [dreg:$0x4]  }
.Lfunc_end2:
_tile_overlayer_lowered:
.L_overlay_start_2:
0x218: {  	(tag) =	ssettag $0x2  }
0x219: {  	s0 =	rddreg [dreg:$0x0];
	s2 =	stileid.u32  }
0x21a: {  	s1 =	rddreg [dreg:$0x1];
	p0 =	sne.s32 s2, $0x0  }
0x21b: {  	s3 =	rddreg [dreg:$0x2];
	[bflag:$0x3] =	sbarrier.arrive $0xFFFF;
	s2 =	simm.s32 @!p0 $0x1C05  }
0x21c: {  	[timem:s3], [sflag:s2] =	dma.local @!p0 [hbm:s0], s1  }
0x21d: {  	s0 =	simm.s32 @!p0 $0x5  }
0x21e: {  	_ =	swait.ge @!p0 [sflag:s0], s1  }
0x21f: {  	s1 =	ssub.s32 @!p0 $0x0, s1;
	[sflag:s0] =	ssyncset.done @!p0 $0x0  }
0x220: {  	[sflag:s0] =	ssyncadd.s32 @!p0 s1  }
0x221: {  	[bflag:$0x3] =	sbarrier.arrive $0xFFFF  }
0x222: {  	_ =	shalt  }

</sc_bundles>
